<compile_context>
chip_gen: v7x
topology: tpu7x:2x2x1
jax: 0.10.2.dev20260603
libtpu: 0.0.44.dev20260713+nightly
codegen_flags: <defaults>
</compile_context>

<pallas_src>
import functools

import jax
import jax.numpy as jnp
from jax import lax
from jax.experimental import pallas as pl
from jax.experimental.pallas import tpu as pltpu
from jax.experimental.pallas import tpu_sc as plsc

ORI_N = 100000
THINK_N = 100000
EMBED_D = 64
PAD_D = 128

NC = 2
NS = 16
NW = NC * NS

SUB = 256
IDR = 8
GIDS = IDR * 128
SPG = GIDS // SUB


def _gather_kernel(B):
    C = B // NW
    G = C // GIDS
    K = C // SUB
    assert B % NW == 0 and C % GIDS == 0 and K % 2 == 0
    mesh = plsc.VectorSubcoreMesh(core_axis_name="c", subcore_axis_name="s")

    @functools.partial(
        pl.kernel,
        out_type=jax.ShapeDtypeStruct((B, PAD_D), jnp.float32),
        mesh=mesh,
        scratch_types=[
            pltpu.VMEM((2, IDR, 128), jnp.int32),
            pltpu.VMEM((2, SUB, PAD_D), jnp.float32),
            [pltpu.SemaphoreType.DMA] * 2,
            [pltpu.SemaphoreType.DMA] * 2,
            [pltpu.SemaphoreType.DMA] * 2,
        ],
        compiler_params=pltpu.CompilerParams(use_tc_tiling_on_sc=True),
    )
    def k(ids_hbm, table_hbm, out_hbm, idx_v, rows_v, idsem, gsem, outsem):
        wid = lax.axis_index("s") * NC + lax.axis_index("c")
        base = wid * C
        rbase = base // 128

        def idload(g, b):
            off = pl.multiple_of(rbase + g * IDR, 8)
            pltpu.async_copy(ids_hbm.at[pl.ds(off, IDR)],
                             idx_v.at[b], idsem[b])

        def gather(gb, j, rb):
            for r in range(SUB // 128):
                pltpu.async_copy(
                    table_hbm.at[idx_v.at[gb].at[j * (SUB // 128) + r]],
                    rows_v.at[rb].at[pl.ds(r * 128, 128)], gsem[rb])

        def outcopy(k_off, rb):
            off = pl.multiple_of(base + k_off * SUB, SUB)
            pltpu.async_copy(rows_v.at[rb], out_hbm.at[pl.ds(off, SUB)],
                             outsem[rb])

        def wait_id(b):
            pltpu.make_async_copy(ids_hbm.at[pl.ds(0, IDR)], idx_v.at[b],
                                  idsem[b]).wait()

        def wait_g(rb):
            for r in range(SUB // 128):
                pltpu.make_async_copy(
                    table_hbm.at[pl.ds(0, 128)],
                    rows_v.at[rb].at[pl.ds(r * 128, 128)], gsem[rb]).wait()

        def wait_out(rb):
            pltpu.make_async_copy(rows_v.at[rb],
                                  out_hbm.at[pl.ds(0, SUB)],
                                  outsem[rb]).wait()

        idload(0, 0)

        def body(i, carry):
            for s in range(2):
                g = 2 * i + s
                gb = s

                @pl.when(g < G)
                def _():
                    wait_id(gb)

                    for j in range(SPG):
                        rb = j % 2

                        if j == 1:
                            @pl.when(g + 1 < G)
                            def _():
                                idload(g + 1, 1 - gb)

                        if j >= 2:
                            wait_out(rb)
                        else:
                            @pl.when(g >= 1)
                            def _():
                                wait_out(rb)

                        gather(gb, j, rb)

                        ob = 1 - rb
                        if j >= 1:
                            wait_g(ob)
                            outcopy(g * SPG + j - 1, ob)
                        else:
                            @pl.when(g >= 1)
                            def _():
                                wait_g(ob)
                                outcopy(g * SPG - 1, ob)

            return carry

        lax.fori_loop(0, (G + 1) // 2, body, 0)

        lb = (K - 1) % 2
        wait_g(lb)
        outcopy(K - 1, lb)
        wait_out(1 - lb)
        wait_out(lb)

    return k


def kernel(ids, ori_weight, think_weight):
    table = jnp.concatenate([ori_weight, think_weight], axis=0)
    table = jnp.pad(table, ((0, 0), (0, PAD_D - EMBED_D)))
    ids2 = ids.reshape(-1, 128).astype(jnp.int32)
    out = _gather_kernel(ids.size)(ids2, table)
    return out[:, :EMBED_D].reshape(ids.shape + (EMBED_D,))

# --- scband reference (transcript-rebuilt; emitter-appended) ---
"""Pipeline reference for scband-combined-embedding-6700148982153 (READ-ONLY COPY).

The authoritative reference and input builder live on the scoring server;
editing this copy changes nothing except your own understanding.
"""

import jax, jax.numpy as jnp
import numpy as np

ORI_V = 100000
THINK_V = 100000
EMBED_DIM = 64
TOTAL_V = ORI_V + THINK_V


def setup_inputs(seed: int = 0) -> dict:
    key = jax.random.key(seed)
    k1, k2, k3 = jax.random.split(key, 3)
    ids = jax.random.randint(k1, (4096, 200), 0, TOTAL_V)
    ori_weight = jax.random.normal(k2, (ORI_V, EMBED_DIM), dtype=jnp.float32)
    think_weight = jax.random.normal(k3, (THINK_V, EMBED_DIM), dtype=jnp.float32)
    return {"ids": ids, "ori_weight": ori_weight, "think_weight": think_weight}


def reference(ids, ori_weight, think_weight):
    ori_n = ori_weight.shape[0]
    think_n = think_weight.shape[0]
    embed_dim = ori_weight.shape[1]

    mask_B = ids >= ori_n
    ids_A = ids
    ids_B = ids - ori_n

    valid_mask_B = mask_B & (ids_B < think_n)
    valid_mask_A = (~mask_B) & (ids_A < ori_n)

    # Clamp indices so the gathers are always in-range; invalid lanes are
    # masked out afterwards (faithful to the torch masked-write semantics).
    safe_A = jnp.clip(ids_A, 0, ori_n - 1)
    safe_B = jnp.clip(ids_B, 0, think_n - 1)

    emb_A = jnp.take(ori_weight, safe_A, axis=0)
    emb_B = jnp.take(think_weight, safe_B, axis=0)

    output = jnp.zeros(ids.shape + (embed_dim,), dtype=ori_weight.dtype)
    output = jnp.where(valid_mask_A[..., None], emb_A, output)
    output = jnp.where(valid_mask_B[..., None], emb_B, output)
    return output

if __name__ == "__main__":
    import jax
    _d = setup_inputs()
    print(jax.jit(kernel)(*tuple(_d.values())))

</pallas_src>

<mosaic_0001>
#map = affine_map<(d0, d1) -> (0, 0)>
module attributes {stable_mosaic.version = 14 : i64} {
  func.func @k(%arg0: i32, %arg1: i32, %arg2: memref<6400x128xi32, #tpu.memory_space<hbm>>, %arg3: memref<200000x128xf32, #tpu.memory_space<hbm>>, %arg4: memref<819200x128xf32, #tpu.memory_space<hbm>>, %arg5: memref<2x8x128xi32, #tpu.memory_space<vmem>>, %arg6: memref<2x256x128xf32, #tpu.memory_space<vmem>>, %arg7: memref<!tpu.dma_semaphore, #tpu.memory_space<semaphore_mem>>, %arg8: memref<!tpu.dma_semaphore, #tpu.memory_space<semaphore_mem>>, %arg9: memref<!tpu.dma_semaphore, #tpu.memory_space<semaphore_mem>>, %arg10: memref<!tpu.dma_semaphore, #tpu.memory_space<semaphore_mem>>, %arg11: memref<!tpu.dma_semaphore, #tpu.memory_space<semaphore_mem>>, %arg12: memref<!tpu.dma_semaphore, #tpu.memory_space<semaphore_mem>>) attributes {dimension_semantics = [#tpu.dimension_semantics<core_parallel>, #tpu.dimension_semantics<subcore_parallel>], iteration_bounds = array<i64: 2, 16>, scalar_prefetch = 0 : i64, scratch_operands = 8 : i64, tpu.core_type = #tpu.core_type<sc_vector_subcore>, window_params = [{transform_indices = #map}, {transform_indices = #map}, {transform_indices = #map}]} {
    %mul3A = arith.constant 2 : i32
    %mul3A_0 = arith.muli %arg1, %mul3A : i32
    %add3A = arith.addi %mul3A_0, %arg0 : i32
    %mul3A_1 = arith.constant 25600 : i32
    %mul3A_2 = arith.muli %add3A, %mul3A_1 : i32
    %jit3A = arith.constant 128 : i32
    %div3A = arith.divsi %mul3A_2, %jit3A : i32
    %sign3A = arith.constant 0 : i32
    %sign3A_3 = arith.cmpi sgt, %mul3A_2, %sign3A : i32
    %sign3A_4 = arith.extui %sign3A_3 : i1 to i32
    %sign3A_5 = arith.constant 0 : i32
    %sign3A_6 = arith.cmpi slt, %mul3A_2, %sign3A_5 : i32
    %sign3A_7 = arith.extui %sign3A_6 : i1 to i32
    %sign3A_8 = arith.subi %sign3A_4, %sign3A_7 : i32
    %sign3A_9 = arith.constant 0 : i32
    %sign3A_10 = arith.cmpi sgt, %jit3A, %sign3A_9 : i32
    %sign3A_11 = arith.extui %sign3A_10 : i1 to i32
    %sign3A_12 = arith.constant 0 : i32
    %sign3A_13 = arith.cmpi slt, %jit3A, %sign3A_12 : i32
    %sign3A_14 = arith.extui %sign3A_13 : i1 to i32
    %sign3A_15 = arith.subi %sign3A_11, %sign3A_14 : i32
    %ne3A = arith.cmpi ne, %sign3A_8, %sign3A_15 : i32
    %rem3A = arith.remsi %mul3A_2, %jit3A : i32
    %ne3A_16 = arith.constant 0 : i32
    %ne3A_17 = arith.cmpi ne, %rem3A, %ne3A_16 : i32
    %and3A = arith.andi %ne3A, %ne3A_17 : i1
    %sub3A = arith.constant 1 : i32
    %sub3A_18 = arith.subi %div3A, %sub3A : i32
    %select_n3A = arith.select %and3A, %sub3A_18, %div3A : i32
    %add3A_19 = arith.constant 0 : i32
    %add3A_20 = arith.addi %select_n3A, %add3A_19 : i32
    %multiple_of3A = tpu.assume_multiple %add3A_20, 8 : i32
    %dma_start3A = arith.constant 0 : i32
    %dma_start3A_21 = arith.constant 0 : i32
    %dma_start3A_22 = arith.constant 0 : i32
    %dma_start3A_23 = tpu.memref_slice %arg5[%dma_start3A, %dma_start3A_21, %dma_start3A_22] : memref<2x8x128xi32, #tpu.memory_space<vmem>> -> memref<1x8x128xi32, #tpu.memory_space<vmem>>
    %dma_start3A_24 = tpu.memref_squeeze %dma_start3A_23 : memref<1x8x128xi32, #tpu.memory_space<vmem>> -> memref<8x128xi32, #tpu.memory_space<vmem>>
    %dma_start3A_25 = arith.constant 0 : i32
    %dma_start3A_26 = tpu.memref_slice %arg2[%multiple_of3A, %dma_start3A_25] : memref<6400x128xi32, #tpu.memory_space<hbm>> -> memref<8x128xi32, #tpu.memory_space<hbm>>
    %dma_start3A_27 = arith.constant 0 : i32
    %dma_start3A_28 = arith.constant 0 : i32
    %dma_start3A_29 = tpu.memref_slice %arg5[%dma_start3A, %dma_start3A_27, %dma_start3A_28] : memref<2x8x128xi32, #tpu.memory_space<vmem>> -> memref<1x8x128xi32, #tpu.memory_space<vmem>>
    %dma_start3A_30 = tpu.memref_squeeze %dma_start3A_29 : memref<1x8x128xi32, #tpu.memory_space<vmem>> -> memref<8x128xi32, #tpu.memory_space<vmem>>
    %dma_start3A_31 = arith.constant 0 : i32
    %dma_start3A_32 = tpu.memref_slice %arg2[%multiple_of3A, %dma_start3A_31] : memref<6400x128xi32, #tpu.memory_space<hbm>> -> memref<8x128xi32, #tpu.memory_space<hbm>>
    tpu.enqueue_dma source(%dma_start3A_32 : memref<8x128xi32, #tpu.memory_space<hbm>>) target(%dma_start3A_30 : memref<8x128xi32, #tpu.memory_space<vmem>>) target_semaphore(%arg7 : memref<!tpu.dma_semaphore, #tpu.memory_space<semaphore_mem>>)
    %scan3A = arith.constant 0 : i32
    %scan3A_33 = arith.constant 0 : i32
    %scan3A_34 = arith.constant 13 : i32
    %scan3A_35 = arith.addi %scan3A_33, %scan3A_34 : i32
    %scan3A_36 = arith.constant 1 : i32
    scf.for %scan3A_125 = %scan3A_33 to %scan3A_35 step %scan3A_36  : i32 {
      %mul3A_126 = arith.constant 2 : i32
      %mul3A_127 = arith.muli %mul3A_126, %scan3A_125 : i32
      %add3A_128 = arith.constant 0 : i32
      %add3A_129 = arith.addi %mul3A_127, %add3A_128 : i32
      %lt3A = arith.constant 25 : i32
      %lt3A_130 = arith.cmpi slt, %add3A_129, %lt3A : i32
      %convert_element_type3A = arith.extui %lt3A_130 : i1 to i32
      %cond3A = arith.constant 0 : i32
      %cond3A_131 = arith.cmpi ne, %convert_element_type3A, %cond3A : i32
      scf.if %cond3A_131 {
        %dma_wait3A_141 = arith.constant 0 : i32
        %dma_wait3A_142 = arith.constant 0 : i32
        %dma_wait3A_143 = arith.constant 0 : i32
        %dma_wait3A_144 = tpu.memref_slice %arg5[%dma_wait3A_141, %dma_wait3A_142, %dma_wait3A_143] : memref<2x8x128xi32, #tpu.memory_space<vmem>> -> memref<1x8x128xi32, #tpu.memory_space<vmem>>
        %dma_wait3A_145 = tpu.memref_squeeze %dma_wait3A_144 : memref<1x8x128xi32, #tpu.memory_space<vmem>> -> memref<8x128xi32, #tpu.memory_space<vmem>>
        %dma_wait3A_146 = arith.constant 0 : i32
        %dma_wait3A_147 = arith.constant 0 : i32
        %dma_wait3A_148 = tpu.memref_slice %arg2[%dma_wait3A_146, %dma_wait3A_147] : memref<6400x128xi32, #tpu.memory_space<hbm>> -> memref<8x128xi32, #tpu.memory_space<hbm>>
        %dma_wait3A_149 = arith.constant 0 : i32
        %dma_wait3A_150 = arith.constant 0 : i32
        %dma_wait3A_151 = tpu.memref_slice %arg5[%dma_wait3A_141, %dma_wait3A_149, %dma_wait3A_150] : memref<2x8x128xi32, #tpu.memory_space<vmem>> -> memref<1x8x128xi32, #tpu.memory_space<vmem>>
        %dma_wait3A_152 = tpu.memref_squeeze %dma_wait3A_151 : memref<1x8x128xi32, #tpu.memory_space<vmem>> -> memref<8x128xi32, #tpu.memory_space<vmem>>
        %dma_wait3A_153 = arith.constant 0 : i32
        %dma_wait3A_154 = arith.constant 0 : i32
        %dma_wait3A_155 = tpu.memref_slice %arg2[%dma_wait3A_153, %dma_wait3A_154] : memref<6400x128xi32, #tpu.memory_space<hbm>> -> memref<8x128xi32, #tpu.memory_space<hbm>>
        tpu.wait_dma2 semaphore(%arg7 : memref<!tpu.dma_semaphore, #tpu.memory_space<semaphore_mem>>) src(%dma_wait3A_155 : memref<8x128xi32, #tpu.memory_space<hbm>>) dst(%dma_wait3A_152 : memref<8x128xi32, #tpu.memory_space<vmem>>)
        %ge3A = arith.constant 1 : i32
        %ge3A_156 = arith.cmpi sge, %add3A_129, %ge3A : i32
        %convert_element_type3A_157 = arith.extui %ge3A_156 : i1 to i32
        %cond3A_158 = arith.constant 0 : i32
        %cond3A_159 = arith.cmpi ne, %convert_element_type3A_157, %cond3A_158 : i32
        scf.if %cond3A_159 {
          %dma_wait3A_562 = arith.constant 0 : i32
          %dma_wait3A_563 = arith.constant 0 : i32
          %dma_wait3A_564 = arith.constant 0 : i32
          %dma_wait3A_565 = tpu.memref_slice %arg6[%dma_wait3A_562, %dma_wait3A_563, %dma_wait3A_564] : memref<2x256x128xf32, #tpu.memory_space<vmem>> -> memref<1x256x128xf32, #tpu.memory_space<vmem>>
          %dma_wait3A_566 = tpu.memref_squeeze %dma_wait3A_565 : memref<1x256x128xf32, #tpu.memory_space<vmem>> -> memref<256x128xf32, #tpu.memory_space<vmem>>
          %dma_wait3A_567 = arith.constant 0 : i32
          %dma_wait3A_568 = arith.constant 0 : i32
          %dma_wait3A_569 = tpu.memref_slice %arg4[%dma_wait3A_567, %dma_wait3A_568] : memref<819200x128xf32, #tpu.memory_space<hbm>> -> memref<256x128xf32, #tpu.memory_space<hbm>>
          %dma_wait3A_570 = arith.constant 0 : i32
          %dma_wait3A_571 = arith.constant 0 : i32
          %dma_wait3A_572 = tpu.memref_slice %arg4[%dma_wait3A_570, %dma_wait3A_571] : memref<819200x128xf32, #tpu.memory_space<hbm>> -> memref<256x128xf32, #tpu.memory_space<hbm>>
          %dma_wait3A_573 = arith.constant 0 : i32
          %dma_wait3A_574 = arith.constant 0 : i32
          %dma_wait3A_575 = tpu.memref_slice %arg6[%dma_wait3A_562, %dma_wait3A_573, %dma_wait3A_574] : memref<2x256x128xf32, #tpu.memory_space<vmem>> -> memref<1x256x128xf32, #tpu.memory_space<vmem>>
          %dma_wait3A_576 = tpu.memref_squeeze %dma_wait3A_575 : memref<1x256x128xf32, #tpu.memory_space<vmem>> -> memref<256x128xf32, #tpu.memory_space<vmem>>
          tpu.wait_dma2 semaphore(%arg11 : memref<!tpu.dma_semaphore, #tpu.memory_space<semaphore_mem>>) src(%dma_wait3A_576 : memref<256x128xf32, #tpu.memory_space<vmem>>) dst(%dma_wait3A_572 : memref<256x128xf32, #tpu.memory_space<hbm>>)
        } else {
        }
        %dma_start3A_160 = arith.constant 0 : i32
        %dma_start3A_161 = arith.constant 0 : i32
        %dma_start3A_162 = arith.constant 0 : i32
        %dma_start3A_163 = arith.constant 0 : i32
        %dma_start3A_164 = arith.constant 0 : i32
        %dma_start3A_165 = tpu.memref_slice %arg6[%dma_start3A_162, %dma_start3A_163, %dma_start3A_164] : memref<2x256x128xf32, #tpu.memory_space<vmem>> -> memref<1x256x128xf32, #tpu.memory_space<vmem>>
        %dma_start3A_166 = tpu.memref_squeeze %dma_start3A_165 : memref<1x256x128xf32, #tpu.memory_space<vmem>> -> memref<256x128xf32, #tpu.memory_space<vmem>>
        %dma_start3A_167 = arith.constant 0 : i32
        %dma_start3A_168 = arith.constant 0 : i32
        %dma_start3A_169 = tpu.memref_slice %dma_start3A_166[%dma_start3A_167, %dma_start3A_168] : memref<256x128xf32, #tpu.memory_space<vmem>> -> memref<128x128xf32, #tpu.memory_space<vmem>>
        %dma_start3A_170 = arith.constant 0 : i32
        %dma_start3A_171 = arith.constant 0 : i32
        %dma_start3A_172 = tpu.memref_slice %arg5[%dma_start3A_160, %dma_start3A_170, %dma_start3A_171] : memref<2x8x128xi32, #tpu.memory_space<vmem>> -> memref<1x8x128xi32, #tpu.memory_space<vmem>>
        %dma_start3A_173 = tpu.memref_squeeze %dma_start3A_172 : memref<1x8x128xi32, #tpu.memory_space<vmem>> -> memref<8x128xi32, #tpu.memory_space<vmem>>
        %dma_start3A_174 = arith.constant 0 : i32
        %dma_start3A_175 = tpu.memref_slice %dma_start3A_173[%dma_start3A_161, %dma_start3A_174] : memref<8x128xi32, #tpu.memory_space<vmem>> -> memref<1x128xi32, #tpu.memory_space<vmem>>
        %dma_start3A_176 = tpu.memref_squeeze %dma_start3A_175 : memref<1x128xi32, #tpu.memory_space<vmem>> -> memref<128xi32, #tpu.memory_space<vmem>>
        %dma_start3A_177 = arith.constant 0 : i32
        %dma_start3A_178 = arith.constant 0 : i32
        %dma_start3A_179 = tpu.memref_slice %arg3[%dma_start3A_177, %dma_start3A_178] : memref<200000x128xf32, #tpu.memory_space<hbm>> -> memref<200000x128xf32, #tpu.memory_space<hbm>>
        tpu.enqueue_indirect_dma source(%dma_start3A_179 : memref<200000x128xf32, #tpu.memory_space<hbm>>) target(%dma_start3A_169 : memref<128x128xf32, #tpu.memory_space<vmem>>) offsets(%dma_start3A_176 : memref<128xi32, #tpu.memory_space<vmem>>) semaphore(%arg9 : memref<!tpu.dma_semaphore, #tpu.memory_space<semaphore_mem>>)
        %dma_start3A_180 = arith.constant 0 : i32
        %dma_start3A_181 = arith.constant 1 : i32
        %dma_start3A_182 = arith.constant 0 : i32
        %dma_start3A_183 = arith.constant 0 : i32
        %dma_start3A_184 = arith.constant 0 : i32
        %dma_start3A_185 = tpu.memref_slice %arg6[%dma_start3A_182, %dma_start3A_183, %dma_start3A_184] : memref<2x256x128xf32, #tpu.memory_space<vmem>> -> memref<1x256x128xf32, #tpu.memory_space<vmem>>
        %dma_start3A_186 = tpu.memref_squeeze %dma_start3A_185 : memref<1x256x128xf32, #tpu.memory_space<vmem>> -> memref<256x128xf32, #tpu.memory_space<vmem>>
        %dma_start3A_187 = arith.constant 128 : i32
        %dma_start3A_188 = arith.constant 0 : i32
        %dma_start3A_189 = tpu.memref_slice %dma_start3A_186[%dma_start3A_187, %dma_start3A_188] : memref<256x128xf32, #tpu.memory_space<vmem>> -> memref<128x128xf32, #tpu.memory_space<vmem>>
        %dma_start3A_190 = arith.constant 0 : i32
        %dma_start3A_191 = arith.constant 0 : i32
        %dma_start3A_192 = tpu.memref_slice %arg5[%dma_start3A_180, %dma_start3A_190, %dma_start3A_191] : memref<2x8x128xi32, #tpu.memory_space<vmem>> -> memref<1x8x128xi32, #tpu.memory_space<vmem>>
        %dma_start3A_193 = tpu.memref_squeeze %dma_start3A_192 : memref<1x8x128xi32, #tpu.memory_space<vmem>> -> memref<8x128xi32, #tpu.memory_space<vmem>>
        %dma_start3A_194 = arith.constant 0 : i32
        %dma_start3A_195 = tpu.memref_slice %dma_start3A_193[%dma_start3A_181, %dma_start3A_194] : memref<8x128xi32, #tpu.memory_space<vmem>> -> memref<1x128xi32, #tpu.memory_space<vmem>>
        %dma_start3A_196 = tpu.memref_squeeze %dma_start3A_195 : memref<1x128xi32, #tpu.memory_space<vmem>> -> memref<128xi32, #tpu.memory_space<vmem>>
        %dma_start3A_197 = arith.constant 0 : i32
        %dma_start3A_198 = arith.constant 0 : i32
        %dma_start3A_199 = tpu.memref_slice %arg3[%dma_start3A_197, %dma_start3A_198] : memref<200000x128xf32, #tpu.memory_space<hbm>> -> memref<200000x128xf32, #tpu.memory_space<hbm>>
        tpu.enqueue_indirect_dma source(%dma_start3A_199 : memref<200000x128xf32, #tpu.memory_space<hbm>>) target(%dma_start3A_189 : memref<128x128xf32, #tpu.memory_space<vmem>>) offsets(%dma_start3A_196 : memref<128xi32, #tpu.memory_space<vmem>>) semaphore(%arg9 : memref<!tpu.dma_semaphore, #tpu.memory_space<semaphore_mem>>)
        %ge3A_200 = arith.constant 1 : i32
        %ge3A_201 = arith.cmpi sge, %add3A_129, %ge3A_200 : i32
        %convert_element_type3A_202 = arith.extui %ge3A_201 : i1 to i32
        %cond3A_203 = arith.constant 0 : i32
        %cond3A_204 = arith.cmpi ne, %convert_element_type3A_202, %cond3A_203 : i32
        scf.if %cond3A_204 {
          %dma_wait3A_562 = arith.constant 1 : i32
          %dma_wait3A_563 = arith.constant 0 : i32
          %dma_wait3A_564 = arith.constant 0 : i32
          %dma_wait3A_565 = tpu.memref_slice %arg6[%dma_wait3A_562, %dma_wait3A_563, %dma_wait3A_564] : memref<2x256x128xf32, #tpu.memory_space<vmem>> -> memref<1x256x128xf32, #tpu.memory_space<vmem>>
          %dma_wait3A_566 = tpu.memref_squeeze %dma_wait3A_565 : memref<1x256x128xf32, #tpu.memory_space<vmem>> -> memref<256x128xf32, #tpu.memory_space<vmem>>
          %dma_wait3A_567 = arith.constant 0 : i32
          %dma_wait3A_568 = arith.constant 0 : i32
          %dma_wait3A_569 = tpu.memref_slice %dma_wait3A_566[%dma_wait3A_567, %dma_wait3A_568] : memref<256x128xf32, #tpu.memory_space<vmem>> -> memref<128x128xf32, #tpu.memory_space<vmem>>
          %dma_wait3A_570 = arith.constant 0 : i32
          %dma_wait3A_571 = arith.constant 0 : i32
          %dma_wait3A_572 = tpu.memref_slice %arg3[%dma_wait3A_570, %dma_wait3A_571] : memref<200000x128xf32, #tpu.memory_space<hbm>> -> memref<128x128xf32, #tpu.memory_space<hbm>>
          %dma_wait3A_573 = arith.constant 0 : i32
          %dma_wait3A_574 = arith.constant 0 : i32
          %dma_wait3A_575 = tpu.memref_slice %arg6[%dma_wait3A_562, %dma_wait3A_573, %dma_wait3A_574] : memref<2x256x128xf32, #tpu.memory_space<vmem>> -> memref<1x256x128xf32, #tpu.memory_space<vmem>>
          %dma_wait3A_576 = tpu.memref_squeeze %dma_wait3A_575 : memref<1x256x128xf32, #tpu.memory_space<vmem>> -> memref<256x128xf32, #tpu.memory_space<vmem>>
          %dma_wait3A_577 = arith.constant 0 : i32
          %dma_wait3A_578 = arith.constant 0 : i32
          %dma_wait3A_579 = tpu.memref_slice %dma_wait3A_576[%dma_wait3A_577, %dma_wait3A_578] : memref<256x128xf32, #tpu.memory_space<vmem>> -> memref<128x128xf32, #tpu.memory_space<vmem>>
          %dma_wait3A_580 = arith.constant 0 : i32
          %dma_wait3A_581 = arith.constant 0 : i32
          %dma_wait3A_582 = tpu.memref_slice %arg3[%dma_wait3A_580, %dma_wait3A_581] : memref<200000x128xf32, #tpu.memory_space<hbm>> -> memref<128x128xf32, #tpu.memory_space<hbm>>
          tpu.wait_dma2 semaphore(%arg10 : memref<!tpu.dma_semaphore, #tpu.memory_space<semaphore_mem>>) src(%dma_wait3A_582 : memref<128x128xf32, #tpu.memory_space<hbm>>) dst(%dma_wait3A_579 : memref<128x128xf32, #tpu.memory_space<vmem>>)
          %dma_wait3A_583 = arith.constant 1 : i32
          %dma_wait3A_584 = arith.constant 0 : i32
          %dma_wait3A_585 = arith.constant 0 : i32
          %dma_wait3A_586 = tpu.memref_slice %arg6[%dma_wait3A_583, %dma_wait3A_584, %dma_wait3A_585] : memref<2x256x128xf32, #tpu.memory_space<vmem>> -> memref<1x256x128xf32, #tpu.memory_space<vmem>>
          %dma_wait3A_587 = tpu.memref_squeeze %dma_wait3A_586 : memref<1x256x128xf32, #tpu.memory_space<vmem>> -> memref<256x128xf32, #tpu.memory_space<vmem>>
          %dma_wait3A_588 = arith.constant 128 : i32
          %dma_wait3A_589 = arith.constant 0 : i32
          %dma_wait3A_590 = tpu.memref_slice %dma_wait3A_587[%dma_wait3A_588, %dma_wait3A_589] : memref<256x128xf32, #tpu.memory_space<vmem>> -> memref<128x128xf32, #tpu.memory_space<vmem>>
          %dma_wait3A_591 = arith.constant 0 : i32
          %dma_wait3A_592 = arith.constant 0 : i32
          %dma_wait3A_593 = tpu.memref_slice %arg3[%dma_wait3A_591, %dma_wait3A_592] : memref<200000x128xf32, #tpu.memory_space<hbm>> -> memref<128x128xf32, #tpu.memory_space<hbm>>
          %dma_wait3A_594 = arith.constant 0 : i32
          %dma_wait3A_595 = arith.constant 0 : i32
          %dma_wait3A_596 = tpu.memref_slice %arg6[%dma_wait3A_583, %dma_wait3A_594, %dma_wait3A_595] : memref<2x256x128xf32, #tpu.memory_space<vmem>> -> memref<1x256x128xf32, #tpu.memory_space<vmem>>
          %dma_wait3A_597 = tpu.memref_squeeze %dma_wait3A_596 : memref<1x256x128xf32, #tpu.memory_space<vmem>> -> memref<256x128xf32, #tpu.memory_space<vmem>>
          %dma_wait3A_598 = arith.constant 128 : i32
          %dma_wait3A_599 = arith.constant 0 : i32
          %dma_wait3A_600 = tpu.memref_slice %dma_wait3A_597[%dma_wait3A_598, %dma_wait3A_599] : memref<256x128xf32, #tpu.memory_space<vmem>> -> memref<128x128xf32, #tpu.memory_space<vmem>>
          %dma_wait3A_601 = arith.constant 0 : i32
          %dma_wait3A_602 = arith.constant 0 : i32
          %dma_wait3A_603 = tpu.memref_slice %arg3[%dma_wait3A_601, %dma_wait3A_602] : memref<200000x128xf32, #tpu.memory_space<hbm>> -> memref<128x128xf32, #tpu.memory_space<hbm>>
          tpu.wait_dma2 semaphore(%arg10 : memref<!tpu.dma_semaphore, #tpu.memory_space<semaphore_mem>>) src(%dma_wait3A_603 : memref<128x128xf32, #tpu.memory_space<hbm>>) dst(%dma_wait3A_600 : memref<128x128xf32, #tpu.memory_space<vmem>>)
          %mul3A_604 = arith.constant 4 : i32
          %mul3A_605 = arith.muli %add3A_129, %mul3A_604 : i32
          %sub3A_606 = arith.constant 1 : i32
          %sub3A_607 = arith.subi %mul3A_605, %sub3A_606 : i32
          %mul3A_608 = arith.constant 256 : i32
          %mul3A_609 = arith.muli %sub3A_607, %mul3A_608 : i32
          %add3A_610 = arith.addi %mul3A_2, %mul3A_609 : i32
          %multiple_of3A_611 = tpu.assume_multiple %add3A_610, 256 : i32
          %dma_start3A_612 = arith.constant 1 : i32
          %dma_start3A_613 = arith.constant 0 : i32
          %dma_start3A_614 = arith.constant 0 : i32
          %dma_start3A_615 = tpu.memref_slice %arg6[%dma_start3A_612, %dma_start3A_613, %dma_start3A_614] : memref<2x256x128xf32, #tpu.memory_space<vmem>> -> memref<1x256x128xf32, #tpu.memory_space<vmem>>
          %dma_start3A_616 = tpu.memref_squeeze %dma_start3A_615 : memref<1x256x128xf32, #tpu.memory_space<vmem>> -> memref<256x128xf32, #tpu.memory_space<vmem>>
          %dma_start3A_617 = arith.constant 0 : i32
          %dma_start3A_618 = tpu.memref_slice %arg4[%multiple_of3A_611, %dma_start3A_617] : memref<819200x128xf32, #tpu.memory_space<hbm>> -> memref<256x128xf32, #tpu.memory_space<hbm>>
          %dma_start3A_619 = arith.constant 0 : i32
          %dma_start3A_620 = tpu.memref_slice %arg4[%multiple_of3A_611, %dma_start3A_619] : memref<819200x128xf32, #tpu.memory_space<hbm>> -> memref<256x128xf32, #tpu.memory_space<hbm>>
          %dma_start3A_621 = arith.constant 0 : i32
          %dma_start3A_622 = arith.constant 0 : i32
          %dma_start3A_623 = tpu.memref_slice %arg6[%dma_start3A_612, %dma_start3A_621, %dma_start3A_622] : memref<2x256x128xf32, #tpu.memory_space<vmem>> -> memref<1x256x128xf32, #tpu.memory_space<vmem>>
          %dma_start3A_624 = tpu.memref_squeeze %dma_start3A_623 : memref<1x256x128xf32, #tpu.memory_space<vmem>> -> memref<256x128xf32, #tpu.memory_space<vmem>>
          tpu.enqueue_dma source(%dma_start3A_624 : memref<256x128xf32, #tpu.memory_space<vmem>>) target(%dma_start3A_620 : memref<256x128xf32, #tpu.memory_space<hbm>>) target_semaphore(%arg12 : memref<!tpu.dma_semaphore, #tpu.memory_space<semaphore_mem>>)
        } else {
        }
        %add3A_205 = arith.constant 1 : i32
        %add3A_206 = arith.addi %add3A_129, %add3A_205 : i32
        %lt3A_207 = arith.constant 25 : i32
        %lt3A_208 = arith.cmpi slt, %add3A_206, %lt3A_207 : i32
        %convert_element_type3A_209 = arith.extui %lt3A_208 : i1 to i32
        %cond3A_210 = arith.constant 0 : i32
        %cond3A_211 = arith.cmpi ne, %convert_element_type3A_209, %cond3A_210 : i32
        scf.if %cond3A_211 {
          %add3A_562 = arith.constant 1 : i32
          %add3A_563 = arith.addi %add3A_129, %add3A_562 : i32
          %mul3A_564 = arith.constant 8 : i32
          %mul3A_565 = arith.muli %add3A_563, %mul3A_564 : i32
          %add3A_566 = arith.addi %select_n3A, %mul3A_565 : i32
          %multiple_of3A_567 = tpu.assume_multiple %add3A_566, 8 : i32
          %dma_start3A_568 = arith.constant 1 : i32
          %dma_start3A_569 = arith.constant 0 : i32
          %dma_start3A_570 = arith.constant 0 : i32
          %dma_start3A_571 = tpu.memref_slice %arg5[%dma_start3A_568, %dma_start3A_569, %dma_start3A_570] : memref<2x8x128xi32, #tpu.memory_space<vmem>> -> memref<1x8x128xi32, #tpu.memory_space<vmem>>
          %dma_start3A_572 = tpu.memref_squeeze %dma_start3A_571 : memref<1x8x128xi32, #tpu.memory_space<vmem>> -> memref<8x128xi32, #tpu.memory_space<vmem>>
          %dma_start3A_573 = arith.constant 0 : i32
          %dma_start3A_574 = tpu.memref_slice %arg2[%multiple_of3A_567, %dma_start3A_573] : memref<6400x128xi32, #tpu.memory_space<hbm>> -> memref<8x128xi32, #tpu.memory_space<hbm>>
          %dma_start3A_575 = arith.constant 0 : i32
          %dma_start3A_576 = arith.constant 0 : i32
          %dma_start3A_577 = tpu.memref_slice %arg5[%dma_start3A_568, %dma_start3A_575, %dma_start3A_576] : memref<2x8x128xi32, #tpu.memory_space<vmem>> -> memref<1x8x128xi32, #tpu.memory_space<vmem>>
          %dma_start3A_578 = tpu.memref_squeeze %dma_start3A_577 : memref<1x8x128xi32, #tpu.memory_space<vmem>> -> memref<8x128xi32, #tpu.memory_space<vmem>>
          %dma_start3A_579 = arith.constant 0 : i32
          %dma_start3A_580 = tpu.memref_slice %arg2[%multiple_of3A_567, %dma_start3A_579] : memref<6400x128xi32, #tpu.memory_space<hbm>> -> memref<8x128xi32, #tpu.memory_space<hbm>>
          tpu.enqueue_dma source(%dma_start3A_580 : memref<8x128xi32, #tpu.memory_space<hbm>>) target(%dma_start3A_578 : memref<8x128xi32, #tpu.memory_space<vmem>>) target_semaphore(%arg8 : memref<!tpu.dma_semaphore, #tpu.memory_space<semaphore_mem>>)
        } else {
        }
        %ge3A_212 = arith.constant 1 : i32
        %ge3A_213 = arith.cmpi sge, %add3A_129, %ge3A_212 : i32
        %convert_element_type3A_214 = arith.extui %ge3A_213 : i1 to i32
        %cond3A_215 = arith.constant 0 : i32
        %cond3A_216 = arith.cmpi ne, %convert_element_type3A_214, %cond3A_215 : i32
        scf.if %cond3A_216 {
          %dma_wait3A_562 = arith.constant 1 : i32
          %dma_wait3A_563 = arith.constant 0 : i32
          %dma_wait3A_564 = arith.constant 0 : i32
          %dma_wait3A_565 = tpu.memref_slice %arg6[%dma_wait3A_562, %dma_wait3A_563, %dma_wait3A_564] : memref<2x256x128xf32, #tpu.memory_space<vmem>> -> memref<1x256x128xf32, #tpu.memory_space<vmem>>
          %dma_wait3A_566 = tpu.memref_squeeze %dma_wait3A_565 : memref<1x256x128xf32, #tpu.memory_space<vmem>> -> memref<256x128xf32, #tpu.memory_space<vmem>>
          %dma_wait3A_567 = arith.constant 0 : i32
          %dma_wait3A_568 = arith.constant 0 : i32
          %dma_wait3A_569 = tpu.memref_slice %arg4[%dma_wait3A_567, %dma_wait3A_568] : memref<819200x128xf32, #tpu.memory_space<hbm>> -> memref<256x128xf32, #tpu.memory_space<hbm>>
          %dma_wait3A_570 = arith.constant 0 : i32
          %dma_wait3A_571 = arith.constant 0 : i32
          %dma_wait3A_572 = tpu.memref_slice %arg4[%dma_wait3A_570, %dma_wait3A_571] : memref<819200x128xf32, #tpu.memory_space<hbm>> -> memref<256x128xf32, #tpu.memory_space<hbm>>
          %dma_wait3A_573 = arith.constant 0 : i32
          %dma_wait3A_574 = arith.constant 0 : i32
          %dma_wait3A_575 = tpu.memref_slice %arg6[%dma_wait3A_562, %dma_wait3A_573, %dma_wait3A_574] : memref<2x256x128xf32, #tpu.memory_space<vmem>> -> memref<1x256x128xf32, #tpu.memory_space<vmem>>
          %dma_wait3A_576 = tpu.memref_squeeze %dma_wait3A_575 : memref<1x256x128xf32, #tpu.memory_space<vmem>> -> memref<256x128xf32, #tpu.memory_space<vmem>>
          tpu.wait_dma2 semaphore(%arg12 : memref<!tpu.dma_semaphore, #tpu.memory_space<semaphore_mem>>) src(%dma_wait3A_576 : memref<256x128xf32, #tpu.memory_space<vmem>>) dst(%dma_wait3A_572 : memref<256x128xf32, #tpu.memory_space<hbm>>)
        } else {
        }
        %dma_start3A_217 = arith.constant 0 : i32
        %dma_start3A_218 = arith.constant 2 : i32
        %dma_start3A_219 = arith.constant 1 : i32
        %dma_start3A_220 = arith.constant 0 : i32
        %dma_start3A_221 = arith.constant 0 : i32
        %dma_start3A_222 = tpu.memref_slice %arg6[%dma_start3A_219, %dma_start3A_220, %dma_start3A_221] : memref<2x256x128xf32, #tpu.memory_space<vmem>> -> memref<1x256x128xf32, #tpu.memory_space<vmem>>
        %dma_start3A_223 = tpu.memref_squeeze %dma_start3A_222 : memref<1x256x128xf32, #tpu.memory_space<vmem>> -> memref<256x128xf32, #tpu.memory_space<vmem>>
        %dma_start3A_224 = arith.constant 0 : i32
        %dma_start3A_225 = arith.constant 0 : i32
        %dma_start3A_226 = tpu.memref_slice %dma_start3A_223[%dma_start3A_224, %dma_start3A_225] : memref<256x128xf32, #tpu.memory_space<vmem>> -> memref<128x128xf32, #tpu.memory_space<vmem>>
        %dma_start3A_227 = arith.constant 0 : i32
        %dma_start3A_228 = arith.constant 0 : i32
        %dma_start3A_229 = tpu.memref_slice %arg5[%dma_start3A_217, %dma_start3A_227, %dma_start3A_228] : memref<2x8x128xi32, #tpu.memory_space<vmem>> -> memref<1x8x128xi32, #tpu.memory_space<vmem>>
        %dma_start3A_230 = tpu.memref_squeeze %dma_start3A_229 : memref<1x8x128xi32, #tpu.memory_space<vmem>> -> memref<8x128xi32, #tpu.memory_space<vmem>>
        %dma_start3A_231 = arith.constant 0 : i32
        %dma_start3A_232 = tpu.memref_slice %dma_start3A_230[%dma_start3A_218, %dma_start3A_231] : memref<8x128xi32, #tpu.memory_space<vmem>> -> memref<1x128xi32, #tpu.memory_space<vmem>>
        %dma_start3A_233 = tpu.memref_squeeze %dma_start3A_232 : memref<1x128xi32, #tpu.memory_space<vmem>> -> memref<128xi32, #tpu.memory_space<vmem>>
        %dma_start3A_234 = arith.constant 0 : i32
        %dma_start3A_235 = arith.constant 0 : i32
        %dma_start3A_236 = tpu.memref_slice %arg3[%dma_start3A_234, %dma_start3A_235] : memref<200000x128xf32, #tpu.memory_space<hbm>> -> memref<200000x128xf32, #tpu.memory_space<hbm>>
        tpu.enqueue_indirect_dma source(%dma_start3A_236 : memref<200000x128xf32, #tpu.memory_space<hbm>>) target(%dma_start3A_226 : memref<128x128xf32, #tpu.memory_space<vmem>>) offsets(%dma_start3A_233 : memref<128xi32, #tpu.memory_space<vmem>>) semaphore(%arg10 : memref<!tpu.dma_semaphore, #tpu.memory_space<semaphore_mem>>)
        %dma_start3A_237 = arith.constant 0 : i32
        %dma_start3A_238 = arith.constant 3 : i32
        %dma_start3A_239 = arith.constant 1 : i32
        %dma_start3A_240 = arith.constant 0 : i32
        %dma_start3A_241 = arith.constant 0 : i32
        %dma_start3A_242 = tpu.memref_slice %arg6[%dma_start3A_239, %dma_start3A_240, %dma_start3A_241] : memref<2x256x128xf32, #tpu.memory_space<vmem>> -> memref<1x256x128xf32, #tpu.memory_space<vmem>>
        %dma_start3A_243 = tpu.memref_squeeze %dma_start3A_242 : memref<1x256x128xf32, #tpu.memory_space<vmem>> -> memref<256x128xf32, #tpu.memory_space<vmem>>
        %dma_start3A_244 = arith.constant 128 : i32
        %dma_start3A_245 = arith.constant 0 : i32
        %dma_start3A_246 = tpu.memref_slice %dma_start3A_243[%dma_start3A_244, %dma_start3A_245] : memref<256x128xf32, #tpu.memory_space<vmem>> -> memref<128x128xf32, #tpu.memory_space<vmem>>
        %dma_start3A_247 = arith.constant 0 : i32
        %dma_start3A_248 = arith.constant 0 : i32
        %dma_start3A_249 = tpu.memref_slice %arg5[%dma_start3A_237, %dma_start3A_247, %dma_start3A_248] : memref<2x8x128xi32, #tpu.memory_space<vmem>> -> memref<1x8x128xi32, #tpu.memory_space<vmem>>
        %dma_start3A_250 = tpu.memref_squeeze %dma_start3A_249 : memref<1x8x128xi32, #tpu.memory_space<vmem>> -> memref<8x128xi32, #tpu.memory_space<vmem>>
        %dma_start3A_251 = arith.constant 0 : i32
        %dma_start3A_252 = tpu.memref_slice %dma_start3A_250[%dma_start3A_238, %dma_start3A_251] : memref<8x128xi32, #tpu.memory_space<vmem>> -> memref<1x128xi32, #tpu.memory_space<vmem>>
        %dma_start3A_253 = tpu.memref_squeeze %dma_start3A_252 : memref<1x128xi32, #tpu.memory_space<vmem>> -> memref<128xi32, #tpu.memory_space<vmem>>
        %dma_start3A_254 = arith.constant 0 : i32
        %dma_start3A_255 = arith.constant 0 : i32
        %dma_start3A_256 = tpu.memref_slice %arg3[%dma_start3A_254, %dma_start3A_255] : memref<200000x128xf32, #tpu.memory_space<hbm>> -> memref<200000x128xf32, #tpu.memory_space<hbm>>
        tpu.enqueue_indirect_dma source(%dma_start3A_256 : memref<200000x128xf32, #tpu.memory_space<hbm>>) target(%dma_start3A_246 : memref<128x128xf32, #tpu.memory_space<vmem>>) offsets(%dma_start3A_253 : memref<128xi32, #tpu.memory_space<vmem>>) semaphore(%arg10 : memref<!tpu.dma_semaphore, #tpu.memory_space<semaphore_mem>>)
        %dma_wait3A_257 = arith.constant 0 : i32
        %dma_wait3A_258 = arith.constant 0 : i32
        %dma_wait3A_259 = arith.constant 0 : i32
        %dma_wait3A_260 = tpu.memref_slice %arg6[%dma_wait3A_257, %dma_wait3A_258, %dma_wait3A_259] : memref<2x256x128xf32, #tpu.memory_space<vmem>> -> memref<1x256x128xf32, #tpu.memory_space<vmem>>
        %dma_wait3A_261 = tpu.memref_squeeze %dma_wait3A_260 : memref<1x256x128xf32, #tpu.memory_space<vmem>> -> memref<256x128xf32, #tpu.memory_space<vmem>>
        %dma_wait3A_262 = arith.constant 0 : i32
        %dma_wait3A_263 = arith.constant 0 : i32
        %dma_wait3A_264 = tpu.memref_slice %dma_wait3A_261[%dma_wait3A_262, %dma_wait3A_263] : memref<256x128xf32, #tpu.memory_space<vmem>> -> memref<128x128xf32, #tpu.memory_space<vmem>>
        %dma_wait3A_265 = arith.constant 0 : i32
        %dma_wait3A_266 = arith.constant 0 : i32
        %dma_wait3A_267 = tpu.memref_slice %arg3[%dma_wait3A_265, %dma_wait3A_266] : memref<200000x128xf32, #tpu.memory_space<hbm>> -> memref<128x128xf32, #tpu.memory_space<hbm>>
        %dma_wait3A_268 = arith.constant 0 : i32
        %dma_wait3A_269 = arith.constant 0 : i32
        %dma_wait3A_270 = tpu.memref_slice %arg6[%dma_wait3A_257, %dma_wait3A_268, %dma_wait3A_269] : memref<2x256x128xf32, #tpu.memory_space<vmem>> -> memref<1x256x128xf32, #tpu.memory_space<vmem>>
        %dma_wait3A_271 = tpu.memref_squeeze %dma_wait3A_270 : memref<1x256x128xf32, #tpu.memory_space<vmem>> -> memref<256x128xf32, #tpu.memory_space<vmem>>
        %dma_wait3A_272 = arith.constant 0 : i32
        %dma_wait3A_273 = arith.constant 0 : i32
        %dma_wait3A_274 = tpu.memref_slice %dma_wait3A_271[%dma_wait3A_272, %dma_wait3A_273] : memref<256x128xf32, #tpu.memory_space<vmem>> -> memref<128x128xf32, #tpu.memory_space<vmem>>
        %dma_wait3A_275 = arith.constant 0 : i32
        %dma_wait3A_276 = arith.constant 0 : i32
        %dma_wait3A_277 = tpu.memref_slice %arg3[%dma_wait3A_275, %dma_wait3A_276] : memref<200000x128xf32, #tpu.memory_space<hbm>> -> memref<128x128xf32, #tpu.memory_space<hbm>>
        tpu.wait_dma2 semaphore(%arg9 : memref<!tpu.dma_semaphore, #tpu.memory_space<semaphore_mem>>) src(%dma_wait3A_277 : memref<128x128xf32, #tpu.memory_space<hbm>>) dst(%dma_wait3A_274 : memref<128x128xf32, #tpu.memory_space<vmem>>)
        %dma_wait3A_278 = arith.constant 0 : i32
        %dma_wait3A_279 = arith.constant 0 : i32
        %dma_wait3A_280 = arith.constant 0 : i32
        %dma_wait3A_281 = tpu.memref_slice %arg6[%dma_wait3A_278, %dma_wait3A_279, %dma_wait3A_280] : memref<2x256x128xf32, #tpu.memory_space<vmem>> -> memref<1x256x128xf32, #tpu.memory_space<vmem>>
        %dma_wait3A_282 = tpu.memref_squeeze %dma_wait3A_281 : memref<1x256x128xf32, #tpu.memory_space<vmem>> -> memref<256x128xf32, #tpu.memory_space<vmem>>
        %dma_wait3A_283 = arith.constant 128 : i32
        %dma_wait3A_284 = arith.constant 0 : i32
        %dma_wait3A_285 = tpu.memref_slice %dma_wait3A_282[%dma_wait3A_283, %dma_wait3A_284] : memref<256x128xf32, #tpu.memory_space<vmem>> -> memref<128x128xf32, #tpu.memory_space<vmem>>
        %dma_wait3A_286 = arith.constant 0 : i32
        %dma_wait3A_287 = arith.constant 0 : i32
        %dma_wait3A_288 = tpu.memref_slice %arg3[%dma_wait3A_286, %dma_wait3A_287] : memref<200000x128xf32, #tpu.memory_space<hbm>> -> memref<128x128xf32, #tpu.memory_space<hbm>>
        %dma_wait3A_289 = arith.constant 0 : i32
        %dma_wait3A_290 = arith.constant 0 : i32
        %dma_wait3A_291 = tpu.memref_slice %arg6[%dma_wait3A_278, %dma_wait3A_289, %dma_wait3A_290] : memref<2x256x128xf32, #tpu.memory_space<vmem>> -> memref<1x256x128xf32, #tpu.memory_space<vmem>>
        %dma_wait3A_292 = tpu.memref_squeeze %dma_wait3A_291 : memref<1x256x128xf32, #tpu.memory_space<vmem>> -> memref<256x128xf32, #tpu.memory_space<vmem>>
        %dma_wait3A_293 = arith.constant 128 : i32
        %dma_wait3A_294 = arith.constant 0 : i32
        %dma_wait3A_295 = tpu.memref_slice %dma_wait3A_292[%dma_wait3A_293, %dma_wait3A_294] : memref<256x128xf32, #tpu.memory_space<vmem>> -> memref<128x128xf32, #tpu.memory_space<vmem>>
        %dma_wait3A_296 = arith.constant 0 : i32
        %dma_wait3A_297 = arith.constant 0 : i32
        %dma_wait3A_298 = tpu.memref_slice %arg3[%dma_wait3A_296, %dma_wait3A_297] : memref<200000x128xf32, #tpu.memory_space<hbm>> -> memref<128x128xf32, #tpu.memory_space<hbm>>
        tpu.wait_dma2 semaphore(%arg9 : memref<!tpu.dma_semaphore, #tpu.memory_space<semaphore_mem>>) src(%dma_wait3A_298 : memref<128x128xf32, #tpu.memory_space<hbm>>) dst(%dma_wait3A_295 : memref<128x128xf32, #tpu.memory_space<vmem>>)
        %mul3A_299 = arith.constant 4 : i32
        %mul3A_300 = arith.muli %add3A_129, %mul3A_299 : i32
        %add3A_301 = arith.constant 1 : i32
        %add3A_302 = arith.addi %mul3A_300, %add3A_301 : i32
        %sub3A_303 = arith.constant 1 : i32
        %sub3A_304 = arith.subi %add3A_302, %sub3A_303 : i32
        %mul3A_305 = arith.constant 256 : i32
        %mul3A_306 = arith.muli %sub3A_304, %mul3A_305 : i32
        %add3A_307 = arith.addi %mul3A_2, %mul3A_306 : i32
        %multiple_of3A_308 = tpu.assume_multiple %add3A_307, 256 : i32
        %dma_start3A_309 = arith.constant 0 : i32
        %dma_start3A_310 = arith.constant 0 : i32
        %dma_start3A_311 = arith.constant 0 : i32
        %dma_start3A_312 = tpu.memref_slice %arg6[%dma_start3A_309, %dma_start3A_310, %dma_start3A_311] : memref<2x256x128xf32, #tpu.memory_space<vmem>> -> memref<1x256x128xf32, #tpu.memory_space<vmem>>
        %dma_start3A_313 = tpu.memref_squeeze %dma_start3A_312 : memref<1x256x128xf32, #tpu.memory_space<vmem>> -> memref<256x128xf32, #tpu.memory_space<vmem>>
        %dma_start3A_314 = arith.constant 0 : i32
        %dma_start3A_315 = tpu.memref_slice %arg4[%multiple_of3A_308, %dma_start3A_314] : memref<819200x128xf32, #tpu.memory_space<hbm>> -> memref<256x128xf32, #tpu.memory_space<hbm>>
        %dma_start3A_316 = arith.constant 0 : i32
        %dma_start3A_317 = tpu.memref_slice %arg4[%multiple_of3A_308, %dma_start3A_316] : memref<819200x128xf32, #tpu.memory_space<hbm>> -> memref<256x128xf32, #tpu.memory_space<hbm>>
        %dma_start3A_318 = arith.constant 0 : i32
        %dma_start3A_319 = arith.constant 0 : i32
        %dma_start3A_320 = tpu.memref_slice %arg6[%dma_start3A_309, %dma_start3A_318, %dma_start3A_319] : memref<2x256x128xf32, #tpu.memory_space<vmem>> -> memref<1x256x128xf32, #tpu.memory_space<vmem>>
        %dma_start3A_321 = tpu.memref_squeeze %dma_start3A_320 : memref<1x256x128xf32, #tpu.memory_space<vmem>> -> memref<256x128xf32, #tpu.memory_space<vmem>>
        tpu.enqueue_dma source(%dma_start3A_321 : memref<256x128xf32, #tpu.memory_space<vmem>>) target(%dma_start3A_317 : memref<256x128xf32, #tpu.memory_space<hbm>>) target_semaphore(%arg11 : memref<!tpu.dma_semaphore, #tpu.memory_space<semaphore_mem>>)
        %dma_wait3A_322 = arith.constant 0 : i32
        %dma_wait3A_323 = arith.constant 0 : i32
        %dma_wait3A_324 = arith.constant 0 : i32
        %dma_wait3A_325 = tpu.memref_slice %arg6[%dma_wait3A_322, %dma_wait3A_323, %dma_wait3A_324] : memref<2x256x128xf32, #tpu.memory_space<vmem>> -> memref<1x256x128xf32, #tpu.memory_space<vmem>>
        %dma_wait3A_326 = tpu.memref_squeeze %dma_wait3A_325 : memref<1x256x128xf32, #tpu.memory_space<vmem>> -> memref<256x128xf32, #tpu.memory_space<vmem>>
        %dma_wait3A_327 = arith.constant 0 : i32
        %dma_wait3A_328 = arith.constant 0 : i32
        %dma_wait3A_329 = tpu.memref_slice %arg4[%dma_wait3A_327, %dma_wait3A_328] : memref<819200x128xf32, #tpu.memory_space<hbm>> -> memref<256x128xf32, #tpu.memory_space<hbm>>
        %dma_wait3A_330 = arith.constant 0 : i32
        %dma_wait3A_331 = arith.constant 0 : i32
        %dma_wait3A_332 = tpu.memref_slice %arg4[%dma_wait3A_330, %dma_wait3A_331] : memref<819200x128xf32, #tpu.memory_space<hbm>> -> memref<256x128xf32, #tpu.memory_space<hbm>>
        %dma_wait3A_333 = arith.constant 0 : i32
        %dma_wait3A_334 = arith.constant 0 : i32
        %dma_wait3A_335 = tpu.memref_slice %arg6[%dma_wait3A_322, %dma_wait3A_333, %dma_wait3A_334] : memref<2x256x128xf32, #tpu.memory_space<vmem>> -> memref<1x256x128xf32, #tpu.memory_space<vmem>>
        %dma_wait3A_336 = tpu.memref_squeeze %dma_wait3A_335 : memref<1x256x128xf32, #tpu.memory_space<vmem>> -> memref<256x128xf32, #tpu.memory_space<vmem>>
        tpu.wait_dma2 semaphore(%arg11 : memref<!tpu.dma_semaphore, #tpu.memory_space<semaphore_mem>>) src(%dma_wait3A_336 : memref<256x128xf32, #tpu.memory_space<vmem>>) dst(%dma_wait3A_332 : memref<256x128xf32, #tpu.memory_space<hbm>>)
        %dma_start3A_337 = arith.constant 0 : i32
        %dma_start3A_338 = arith.constant 4 : i32
        %dma_start3A_339 = arith.constant 0 : i32
        %dma_start3A_340 = arith.constant 0 : i32
        %dma_start3A_341 = arith.constant 0 : i32
        %dma_start3A_342 = tpu.memref_slice %arg6[%dma_start3A_339, %dma_start3A_340, %dma_start3A_341] : memref<2x256x128xf32, #tpu.memory_space<vmem>> -> memref<1x256x128xf32, #tpu.memory_space<vmem>>
        %dma_start3A_343 = tpu.memref_squeeze %dma_start3A_342 : memref<1x256x128xf32, #tpu.memory_space<vmem>> -> memref<256x128xf32, #tpu.memory_space<vmem>>
        %dma_start3A_344 = arith.constant 0 : i32
        %dma_start3A_345 = arith.constant 0 : i32
        %dma_start3A_346 = tpu.memref_slice %dma_start3A_343[%dma_start3A_344, %dma_start3A_345] : memref<256x128xf32, #tpu.memory_space<vmem>> -> memref<128x128xf32, #tpu.memory_space<vmem>>
        %dma_start3A_347 = arith.constant 0 : i32
        %dma_start3A_348 = arith.constant 0 : i32
        %dma_start3A_349 = tpu.memref_slice %arg5[%dma_start3A_337, %dma_start3A_347, %dma_start3A_348] : memref<2x8x128xi32, #tpu.memory_space<vmem>> -> memref<1x8x128xi32, #tpu.memory_space<vmem>>
        %dma_start3A_350 = tpu.memref_squeeze %dma_start3A_349 : memref<1x8x128xi32, #tpu.memory_space<vmem>> -> memref<8x128xi32, #tpu.memory_space<vmem>>
        %dma_start3A_351 = arith.constant 0 : i32
        %dma_start3A_352 = tpu.memref_slice %dma_start3A_350[%dma_start3A_338, %dma_start3A_351] : memref<8x128xi32, #tpu.memory_space<vmem>> -> memref<1x128xi32, #tpu.memory_space<vmem>>
        %dma_start3A_353 = tpu.memref_squeeze %dma_start3A_352 : memref<1x128xi32, #tpu.memory_space<vmem>> -> memref<128xi32, #tpu.memory_space<vmem>>
        %dma_start3A_354 = arith.constant 0 : i32
        %dma_start3A_355 = arith.constant 0 : i32
        %dma_start3A_356 = tpu.memref_slice %arg3[%dma_start3A_354, %dma_start3A_355] : memref<200000x128xf32, #tpu.memory_space<hbm>> -> memref<200000x128xf32, #tpu.memory_space<hbm>>
        tpu.enqueue_indirect_dma source(%dma_start3A_356 : memref<200000x128xf32, #tpu.memory_space<hbm>>) target(%dma_start3A_346 : memref<128x128xf32, #tpu.memory_space<vmem>>) offsets(%dma_start3A_353 : memref<128xi32, #tpu.memory_space<vmem>>) semaphore(%arg9 : memref<!tpu.dma_semaphore, #tpu.memory_space<semaphore_mem>>)
        %dma_start3A_357 = arith.constant 0 : i32
        %dma_start3A_358 = arith.constant 5 : i32
        %dma_start3A_359 = arith.constant 0 : i32
        %dma_start3A_360 = arith.constant 0 : i32
        %dma_start3A_361 = arith.constant 0 : i32
        %dma_start3A_362 = tpu.memref_slice %arg6[%dma_start3A_359, %dma_start3A_360, %dma_start3A_361] : memref<2x256x128xf32, #tpu.memory_space<vmem>> -> memref<1x256x128xf32, #tpu.memory_space<vmem>>
        %dma_start3A_363 = tpu.memref_squeeze %dma_start3A_362 : memref<1x256x128xf32, #tpu.memory_space<vmem>> -> memref<256x128xf32, #tpu.memory_space<vmem>>
        %dma_start3A_364 = arith.constant 128 : i32
        %dma_start3A_365 = arith.constant 0 : i32
        %dma_start3A_366 = tpu.memref_slice %dma_start3A_363[%dma_start3A_364, %dma_start3A_365] : memref<256x128xf32, #tpu.memory_space<vmem>> -> memref<128x128xf32, #tpu.memory_space<vmem>>
        %dma_start3A_367 = arith.constant 0 : i32
        %dma_start3A_368 = arith.constant 0 : i32
        %dma_start3A_369 = tpu.memref_slice %arg5[%dma_start3A_357, %dma_start3A_367, %dma_start3A_368] : memref<2x8x128xi32, #tpu.memory_space<vmem>> -> memref<1x8x128xi32, #tpu.memory_space<vmem>>
        %dma_start3A_370 = tpu.memref_squeeze %dma_start3A_369 : memref<1x8x128xi32, #tpu.memory_space<vmem>> -> memref<8x128xi32, #tpu.memory_space<vmem>>
        %dma_start3A_371 = arith.constant 0 : i32
        %dma_start3A_372 = tpu.memref_slice %dma_start3A_370[%dma_start3A_358, %dma_start3A_371] : memref<8x128xi32, #tpu.memory_space<vmem>> -> memref<1x128xi32, #tpu.memory_space<vmem>>
        %dma_start3A_373 = tpu.memref_squeeze %dma_start3A_372 : memref<1x128xi32, #tpu.memory_space<vmem>> -> memref<128xi32, #tpu.memory_space<vmem>>
        %dma_start3A_374 = arith.constant 0 : i32
        %dma_start3A_375 = arith.constant 0 : i32
        %dma_start3A_376 = tpu.memref_slice %arg3[%dma_start3A_374, %dma_start3A_375] : memref<200000x128xf32, #tpu.memory_space<hbm>> -> memref<200000x128xf32, #tpu.memory_space<hbm>>
        tpu.enqueue_indirect_dma source(%dma_start3A_376 : memref<200000x128xf32, #tpu.memory_space<hbm>>) target(%dma_start3A_366 : memref<128x128xf32, #tpu.memory_space<vmem>>) offsets(%dma_start3A_373 : memref<128xi32, #tpu.memory_space<vmem>>) semaphore(%arg9 : memref<!tpu.dma_semaphore, #tpu.memory_space<semaphore_mem>>)
        %dma_wait3A_377 = arith.constant 1 : i32
        %dma_wait3A_378 = arith.constant 0 : i32
        %dma_wait3A_379 = arith.constant 0 : i32
        %dma_wait3A_380 = tpu.memref_slice %arg6[%dma_wait3A_377, %dma_wait3A_378, %dma_wait3A_379] : memref<2x256x128xf32, #tpu.memory_space<vmem>> -> memref<1x256x128xf32, #tpu.memory_space<vmem>>
        %dma_wait3A_381 = tpu.memref_squeeze %dma_wait3A_380 : memref<1x256x128xf32, #tpu.memory_space<vmem>> -> memref<256x128xf32, #tpu.memory_space<vmem>>
        %dma_wait3A_382 = arith.constant 0 : i32
        %dma_wait3A_383 = arith.constant 0 : i32
        %dma_wait3A_384 = tpu.memref_slice %dma_wait3A_381[%dma_wait3A_382, %dma_wait3A_383] : memref<256x128xf32, #tpu.memory_space<vmem>> -> memref<128x128xf32, #tpu.memory_space<vmem>>
        %dma_wait3A_385 = arith.constant 0 : i32
        %dma_wait3A_386 = arith.constant 0 : i32
        %dma_wait3A_387 = tpu.memref_slice %arg3[%dma_wait3A_385, %dma_wait3A_386] : memref<200000x128xf32, #tpu.memory_space<hbm>> -> memref<128x128xf32, #tpu.memory_space<hbm>>
        %dma_wait3A_388 = arith.constant 0 : i32
        %dma_wait3A_389 = arith.constant 0 : i32
        %dma_wait3A_390 = tpu.memref_slice %arg6[%dma_wait3A_377, %dma_wait3A_388, %dma_wait3A_389] : memref<2x256x128xf32, #tpu.memory_space<vmem>> -> memref<1x256x128xf32, #tpu.memory_space<vmem>>
        %dma_wait3A_391 = tpu.memref_squeeze %dma_wait3A_390 : memref<1x256x128xf32, #tpu.memory_space<vmem>> -> memref<256x128xf32, #tpu.memory_space<vmem>>
        %dma_wait3A_392 = arith.constant 0 : i32
        %dma_wait3A_393 = arith.constant 0 : i32
        %dma_wait3A_394 = tpu.memref_slice %dma_wait3A_391[%dma_wait3A_392, %dma_wait3A_393] : memref<256x128xf32, #tpu.memory_space<vmem>> -> memref<128x128xf32, #tpu.memory_space<vmem>>
        %dma_wait3A_395 = arith.constant 0 : i32
        %dma_wait3A_396 = arith.constant 0 : i32
        %dma_wait3A_397 = tpu.memref_slice %arg3[%dma_wait3A_395, %dma_wait3A_396] : memref<200000x128xf32, #tpu.memory_space<hbm>> -> memref<128x128xf32, #tpu.memory_space<hbm>>
        tpu.wait_dma2 semaphore(%arg10 : memref<!tpu.dma_semaphore, #tpu.memory_space<semaphore_mem>>) src(%dma_wait3A_397 : memref<128x128xf32, #tpu.memory_space<hbm>>) dst(%dma_wait3A_394 : memref<128x128xf32, #tpu.memory_space<vmem>>)
        %dma_wait3A_398 = arith.constant 1 : i32
        %dma_wait3A_399 = arith.constant 0 : i32
        %dma_wait3A_400 = arith.constant 0 : i32
        %dma_wait3A_401 = tpu.memref_slice %arg6[%dma_wait3A_398, %dma_wait3A_399, %dma_wait3A_400] : memref<2x256x128xf32, #tpu.memory_space<vmem>> -> memref<1x256x128xf32, #tpu.memory_space<vmem>>
        %dma_wait3A_402 = tpu.memref_squeeze %dma_wait3A_401 : memref<1x256x128xf32, #tpu.memory_space<vmem>> -> memref<256x128xf32, #tpu.memory_space<vmem>>
        %dma_wait3A_403 = arith.constant 128 : i32
        %dma_wait3A_404 = arith.constant 0 : i32
        %dma_wait3A_405 = tpu.memref_slice %dma_wait3A_402[%dma_wait3A_403, %dma_wait3A_404] : memref<256x128xf32, #tpu.memory_space<vmem>> -> memref<128x128xf32, #tpu.memory_space<vmem>>
        %dma_wait3A_406 = arith.constant 0 : i32
        %dma_wait3A_407 = arith.constant 0 : i32
        %dma_wait3A_408 = tpu.memref_slice %arg3[%dma_wait3A_406, %dma_wait3A_407] : memref<200000x128xf32, #tpu.memory_space<hbm>> -> memref<128x128xf32, #tpu.memory_space<hbm>>
        %dma_wait3A_409 = arith.constant 0 : i32
        %dma_wait3A_410 = arith.constant 0 : i32
        %dma_wait3A_411 = tpu.memref_slice %arg6[%dma_wait3A_398, %dma_wait3A_409, %dma_wait3A_410] : memref<2x256x128xf32, #tpu.memory_space<vmem>> -> memref<1x256x128xf32, #tpu.memory_space<vmem>>
        %dma_wait3A_412 = tpu.memref_squeeze %dma_wait3A_411 : memref<1x256x128xf32, #tpu.memory_space<vmem>> -> memref<256x128xf32, #tpu.memory_space<vmem>>
        %dma_wait3A_413 = arith.constant 128 : i32
        %dma_wait3A_414 = arith.constant 0 : i32
        %dma_wait3A_415 = tpu.memref_slice %dma_wait3A_412[%dma_wait3A_413, %dma_wait3A_414] : memref<256x128xf32, #tpu.memory_space<vmem>> -> memref<128x128xf32, #tpu.memory_space<vmem>>
        %dma_wait3A_416 = arith.constant 0 : i32
        %dma_wait3A_417 = arith.constant 0 : i32
        %dma_wait3A_418 = tpu.memref_slice %arg3[%dma_wait3A_416, %dma_wait3A_417] : memref<200000x128xf32, #tpu.memory_space<hbm>> -> memref<128x128xf32, #tpu.memory_space<hbm>>
        tpu.wait_dma2 semaphore(%arg10 : memref<!tpu.dma_semaphore, #tpu.memory_space<semaphore_mem>>) src(%dma_wait3A_418 : memref<128x128xf32, #tpu.memory_space<hbm>>) dst(%dma_wait3A_415 : memref<128x128xf32, #tpu.memory_space<vmem>>)
        %mul3A_419 = arith.constant 4 : i32
        %mul3A_420 = arith.muli %add3A_129, %mul3A_419 : i32
        %add3A_421 = arith.constant 2 : i32
        %add3A_422 = arith.addi %mul3A_420, %add3A_421 : i32
        %sub3A_423 = arith.constant 1 : i32
        %sub3A_424 = arith.subi %add3A_422, %sub3A_423 : i32
        %mul3A_425 = arith.constant 256 : i32
        %mul3A_426 = arith.muli %sub3A_424, %mul3A_425 : i32
        %add3A_427 = arith.addi %mul3A_2, %mul3A_426 : i32
        %multiple_of3A_428 = tpu.assume_multiple %add3A_427, 256 : i32
        %dma_start3A_429 = arith.constant 1 : i32
        %dma_start3A_430 = arith.constant 0 : i32
        %dma_start3A_431 = arith.constant 0 : i32
        %dma_start3A_432 = tpu.memref_slice %arg6[%dma_start3A_429, %dma_start3A_430, %dma_start3A_431] : memref<2x256x128xf32, #tpu.memory_space<vmem>> -> memref<1x256x128xf32, #tpu.memory_space<vmem>>
        %dma_start3A_433 = tpu.memref_squeeze %dma_start3A_432 : memref<1x256x128xf32, #tpu.memory_space<vmem>> -> memref<256x128xf32, #tpu.memory_space<vmem>>
        %dma_start3A_434 = arith.constant 0 : i32
        %dma_start3A_435 = tpu.memref_slice %arg4[%multiple_of3A_428, %dma_start3A_434] : memref<819200x128xf32, #tpu.memory_space<hbm>> -> memref<256x128xf32, #tpu.memory_space<hbm>>
        %dma_start3A_436 = arith.constant 0 : i32
        %dma_start3A_437 = tpu.memref_slice %arg4[%multiple_of3A_428, %dma_start3A_436] : memref<819200x128xf32, #tpu.memory_space<hbm>> -> memref<256x128xf32, #tpu.memory_space<hbm>>
        %dma_start3A_438 = arith.constant 0 : i32
        %dma_start3A_439 = arith.constant 0 : i32
        %dma_start3A_440 = tpu.memref_slice %arg6[%dma_start3A_429, %dma_start3A_438, %dma_start3A_439] : memref<2x256x128xf32, #tpu.memory_space<vmem>> -> memref<1x256x128xf32, #tpu.memory_space<vmem>>
        %dma_start3A_441 = tpu.memref_squeeze %dma_start3A_440 : memref<1x256x128xf32, #tpu.memory_space<vmem>> -> memref<256x128xf32, #tpu.memory_space<vmem>>
        tpu.enqueue_dma source(%dma_start3A_441 : memref<256x128xf32, #tpu.memory_space<vmem>>) target(%dma_start3A_437 : memref<256x128xf32, #tpu.memory_space<hbm>>) target_semaphore(%arg12 : memref<!tpu.dma_semaphore, #tpu.memory_space<semaphore_mem>>)
        %dma_wait3A_442 = arith.constant 1 : i32
        %dma_wait3A_443 = arith.constant 0 : i32
        %dma_wait3A_444 = arith.constant 0 : i32
        %dma_wait3A_445 = tpu.memref_slice %arg6[%dma_wait3A_442, %dma_wait3A_443, %dma_wait3A_444] : memref<2x256x128xf32, #tpu.memory_space<vmem>> -> memref<1x256x128xf32, #tpu.memory_space<vmem>>
        %dma_wait3A_446 = tpu.memref_squeeze %dma_wait3A_445 : memref<1x256x128xf32, #tpu.memory_space<vmem>> -> memref<256x128xf32, #tpu.memory_space<vmem>>
        %dma_wait3A_447 = arith.constant 0 : i32
        %dma_wait3A_448 = arith.constant 0 : i32
        %dma_wait3A_449 = tpu.memref_slice %arg4[%dma_wait3A_447, %dma_wait3A_448] : memref<819200x128xf32, #tpu.memory_space<hbm>> -> memref<256x128xf32, #tpu.memory_space<hbm>>
        %dma_wait3A_450 = arith.constant 0 : i32
        %dma_wait3A_451 = arith.constant 0 : i32
        %dma_wait3A_452 = tpu.memref_slice %arg4[%dma_wait3A_450, %dma_wait3A_451] : memref<819200x128xf32, #tpu.memory_space<hbm>> -> memref<256x128xf32, #tpu.memory_space<hbm>>
        %dma_wait3A_453 = arith.constant 0 : i32
        %dma_wait3A_454 = arith.constant 0 : i32
        %dma_wait3A_455 = tpu.memref_slice %arg6[%dma_wait3A_442, %dma_wait3A_453, %dma_wait3A_454] : memref<2x256x128xf32, #tpu.memory_space<vmem>> -> memref<1x256x128xf32, #tpu.memory_space<vmem>>
        %dma_wait3A_456 = tpu.memref_squeeze %dma_wait3A_455 : memref<1x256x128xf32, #tpu.memory_space<vmem>> -> memref<256x128xf32, #tpu.memory_space<vmem>>
        tpu.wait_dma2 semaphore(%arg12 : memref<!tpu.dma_semaphore, #tpu.memory_space<semaphore_mem>>) src(%dma_wait3A_456 : memref<256x128xf32, #tpu.memory_space<vmem>>) dst(%dma_wait3A_452 : memref<256x128xf32, #tpu.memory_space<hbm>>)
        %dma_start3A_457 = arith.constant 0 : i32
        %dma_start3A_458 = arith.constant 6 : i32
        %dma_start3A_459 = arith.constant 1 : i32
        %dma_start3A_460 = arith.constant 0 : i32
        %dma_start3A_461 = arith.constant 0 : i32
        %dma_start3A_462 = tpu.memref_slice %arg6[%dma_start3A_459, %dma_start3A_460, %dma_start3A_461] : memref<2x256x128xf32, #tpu.memory_space<vmem>> -> memref<1x256x128xf32, #tpu.memory_space<vmem>>
        %dma_start3A_463 = tpu.memref_squeeze %dma_start3A_462 : memref<1x256x128xf32, #tpu.memory_space<vmem>> -> memref<256x128xf32, #tpu.memory_space<vmem>>
        %dma_start3A_464 = arith.constant 0 : i32
        %dma_start3A_465 = arith.constant 0 : i32
        %dma_start3A_466 = tpu.memref_slice %dma_start3A_463[%dma_start3A_464, %dma_start3A_465] : memref<256x128xf32, #tpu.memory_space<vmem>> -> memref<128x128xf32, #tpu.memory_space<vmem>>
        %dma_start3A_467 = arith.constant 0 : i32
        %dma_start3A_468 = arith.constant 0 : i32
        %dma_start3A_469 = tpu.memref_slice %arg5[%dma_start3A_457, %dma_start3A_467, %dma_start3A_468] : memref<2x8x128xi32, #tpu.memory_space<vmem>> -> memref<1x8x128xi32, #tpu.memory_space<vmem>>
        %dma_start3A_470 = tpu.memref_squeeze %dma_start3A_469 : memref<1x8x128xi32, #tpu.memory_space<vmem>> -> memref<8x128xi32, #tpu.memory_space<vmem>>
        %dma_start3A_471 = arith.constant 0 : i32
        %dma_start3A_472 = tpu.memref_slice %dma_start3A_470[%dma_start3A_458, %dma_start3A_471] : memref<8x128xi32, #tpu.memory_space<vmem>> -> memref<1x128xi32, #tpu.memory_space<vmem>>
        %dma_start3A_473 = tpu.memref_squeeze %dma_start3A_472 : memref<1x128xi32, #tpu.memory_space<vmem>> -> memref<128xi32, #tpu.memory_space<vmem>>
        %dma_start3A_474 = arith.constant 0 : i32
        %dma_start3A_475 = arith.constant 0 : i32
        %dma_start3A_476 = tpu.memref_slice %arg3[%dma_start3A_474, %dma_start3A_475] : memref<200000x128xf32, #tpu.memory_space<hbm>> -> memref<200000x128xf32, #tpu.memory_space<hbm>>
        tpu.enqueue_indirect_dma source(%dma_start3A_476 : memref<200000x128xf32, #tpu.memory_space<hbm>>) target(%dma_start3A_466 : memref<128x128xf32, #tpu.memory_space<vmem>>) offsets(%dma_start3A_473 : memref<128xi32, #tpu.memory_space<vmem>>) semaphore(%arg10 : memref<!tpu.dma_semaphore, #tpu.memory_space<semaphore_mem>>)
        %dma_start3A_477 = arith.constant 0 : i32
        %dma_start3A_478 = arith.constant 7 : i32
        %dma_start3A_479 = arith.constant 1 : i32
        %dma_start3A_480 = arith.constant 0 : i32
        %dma_start3A_481 = arith.constant 0 : i32
        %dma_start3A_482 = tpu.memref_slice %arg6[%dma_start3A_479, %dma_start3A_480, %dma_start3A_481] : memref<2x256x128xf32, #tpu.memory_space<vmem>> -> memref<1x256x128xf32, #tpu.memory_space<vmem>>
        %dma_start3A_483 = tpu.memref_squeeze %dma_start3A_482 : memref<1x256x128xf32, #tpu.memory_space<vmem>> -> memref<256x128xf32, #tpu.memory_space<vmem>>
        %dma_start3A_484 = arith.constant 128 : i32
        %dma_start3A_485 = arith.constant 0 : i32
        %dma_start3A_486 = tpu.memref_slice %dma_start3A_483[%dma_start3A_484, %dma_start3A_485] : memref<256x128xf32, #tpu.memory_space<vmem>> -> memref<128x128xf32, #tpu.memory_space<vmem>>
        %dma_start3A_487 = arith.constant 0 : i32
        %dma_start3A_488 = arith.constant 0 : i32
        %dma_start3A_489 = tpu.memref_slice %arg5[%dma_start3A_477, %dma_start3A_487, %dma_start3A_488] : memref<2x8x128xi32, #tpu.memory_space<vmem>> -> memref<1x8x128xi32, #tpu.memory_space<vmem>>
        %dma_start3A_490 = tpu.memref_squeeze %dma_start3A_489 : memref<1x8x128xi32, #tpu.memory_space<vmem>> -> memref<8x128xi32, #tpu.memory_space<vmem>>
        %dma_start3A_491 = arith.constant 0 : i32
        %dma_start3A_492 = tpu.memref_slice %dma_start3A_490[%dma_start3A_478, %dma_start3A_491] : memref<8x128xi32, #tpu.memory_space<vmem>> -> memref<1x128xi32, #tpu.memory_space<vmem>>
        %dma_start3A_493 = tpu.memref_squeeze %dma_start3A_492 : memref<1x128xi32, #tpu.memory_space<vmem>> -> memref<128xi32, #tpu.memory_space<vmem>>
        %dma_start3A_494 = arith.constant 0 : i32
        %dma_start3A_495 = arith.constant 0 : i32
        %dma_start3A_496 = tpu.memref_slice %arg3[%dma_start3A_494, %dma_start3A_495] : memref<200000x128xf32, #tpu.memory_space<hbm>> -> memref<200000x128xf32, #tpu.memory_space<hbm>>
        tpu.enqueue_indirect_dma source(%dma_start3A_496 : memref<200000x128xf32, #tpu.memory_space<hbm>>) target(%dma_start3A_486 : memref<128x128xf32, #tpu.memory_space<vmem>>) offsets(%dma_start3A_493 : memref<128xi32, #tpu.memory_space<vmem>>) semaphore(%arg10 : memref<!tpu.dma_semaphore, #tpu.memory_space<semaphore_mem>>)
        %dma_wait3A_497 = arith.constant 0 : i32
        %dma_wait3A_498 = arith.constant 0 : i32
        %dma_wait3A_499 = arith.constant 0 : i32
        %dma_wait3A_500 = tpu.memref_slice %arg6[%dma_wait3A_497, %dma_wait3A_498, %dma_wait3A_499] : memref<2x256x128xf32, #tpu.memory_space<vmem>> -> memref<1x256x128xf32, #tpu.memory_space<vmem>>
        %dma_wait3A_501 = tpu.memref_squeeze %dma_wait3A_500 : memref<1x256x128xf32, #tpu.memory_space<vmem>> -> memref<256x128xf32, #tpu.memory_space<vmem>>
        %dma_wait3A_502 = arith.constant 0 : i32
        %dma_wait3A_503 = arith.constant 0 : i32
        %dma_wait3A_504 = tpu.memref_slice %dma_wait3A_501[%dma_wait3A_502, %dma_wait3A_503] : memref<256x128xf32, #tpu.memory_space<vmem>> -> memref<128x128xf32, #tpu.memory_space<vmem>>
        %dma_wait3A_505 = arith.constant 0 : i32
        %dma_wait3A_506 = arith.constant 0 : i32
        %dma_wait3A_507 = tpu.memref_slice %arg3[%dma_wait3A_505, %dma_wait3A_506] : memref<200000x128xf32, #tpu.memory_space<hbm>> -> memref<128x128xf32, #tpu.memory_space<hbm>>
        %dma_wait3A_508 = arith.constant 0 : i32
        %dma_wait3A_509 = arith.constant 0 : i32
        %dma_wait3A_510 = tpu.memref_slice %arg6[%dma_wait3A_497, %dma_wait3A_508, %dma_wait3A_509] : memref<2x256x128xf32, #tpu.memory_space<vmem>> -> memref<1x256x128xf32, #tpu.memory_space<vmem>>
        %dma_wait3A_511 = tpu.memref_squeeze %dma_wait3A_510 : memref<1x256x128xf32, #tpu.memory_space<vmem>> -> memref<256x128xf32, #tpu.memory_space<vmem>>
        %dma_wait3A_512 = arith.constant 0 : i32
        %dma_wait3A_513 = arith.constant 0 : i32
        %dma_wait3A_514 = tpu.memref_slice %dma_wait3A_511[%dma_wait3A_512, %dma_wait3A_513] : memref<256x128xf32, #tpu.memory_space<vmem>> -> memref<128x128xf32, #tpu.memory_space<vmem>>
        %dma_wait3A_515 = arith.constant 0 : i32
        %dma_wait3A_516 = arith.constant 0 : i32
        %dma_wait3A_517 = tpu.memref_slice %arg3[%dma_wait3A_515, %dma_wait3A_516] : memref<200000x128xf32, #tpu.memory_space<hbm>> -> memref<128x128xf32, #tpu.memory_space<hbm>>
        tpu.wait_dma2 semaphore(%arg9 : memref<!tpu.dma_semaphore, #tpu.memory_space<semaphore_mem>>) src(%dma_wait3A_517 : memref<128x128xf32, #tpu.memory_space<hbm>>) dst(%dma_wait3A_514 : memref<128x128xf32, #tpu.memory_space<vmem>>)
        %dma_wait3A_518 = arith.constant 0 : i32
        %dma_wait3A_519 = arith.constant 0 : i32
        %dma_wait3A_520 = arith.constant 0 : i32
        %dma_wait3A_521 = tpu.memref_slice %arg6[%dma_wait3A_518, %dma_wait3A_519, %dma_wait3A_520] : memref<2x256x128xf32, #tpu.memory_space<vmem>> -> memref<1x256x128xf32, #tpu.memory_space<vmem>>
        %dma_wait3A_522 = tpu.memref_squeeze %dma_wait3A_521 : memref<1x256x128xf32, #tpu.memory_space<vmem>> -> memref<256x128xf32, #tpu.memory_space<vmem>>
        %dma_wait3A_523 = arith.constant 128 : i32
        %dma_wait3A_524 = arith.constant 0 : i32
        %dma_wait3A_525 = tpu.memref_slice %dma_wait3A_522[%dma_wait3A_523, %dma_wait3A_524] : memref<256x128xf32, #tpu.memory_space<vmem>> -> memref<128x128xf32, #tpu.memory_space<vmem>>
        %dma_wait3A_526 = arith.constant 0 : i32
        %dma_wait3A_527 = arith.constant 0 : i32
        %dma_wait3A_528 = tpu.memref_slice %arg3[%dma_wait3A_526, %dma_wait3A_527] : memref<200000x128xf32, #tpu.memory_space<hbm>> -> memref<128x128xf32, #tpu.memory_space<hbm>>
        %dma_wait3A_529 = arith.constant 0 : i32
        %dma_wait3A_530 = arith.constant 0 : i32
        %dma_wait3A_531 = tpu.memref_slice %arg6[%dma_wait3A_518, %dma_wait3A_529, %dma_wait3A_530] : memref<2x256x128xf32, #tpu.memory_space<vmem>> -> memref<1x256x128xf32, #tpu.memory_space<vmem>>
        %dma_wait3A_532 = tpu.memref_squeeze %dma_wait3A_531 : memref<1x256x128xf32, #tpu.memory_space<vmem>> -> memref<256x128xf32, #tpu.memory_space<vmem>>
        %dma_wait3A_533 = arith.constant 128 : i32
        %dma_wait3A_534 = arith.constant 0 : i32
        %dma_wait3A_535 = tpu.memref_slice %dma_wait3A_532[%dma_wait3A_533, %dma_wait3A_534] : memref<256x128xf32, #tpu.memory_space<vmem>> -> memref<128x128xf32, #tpu.memory_space<vmem>>
        %dma_wait3A_536 = arith.constant 0 : i32
        %dma_wait3A_537 = arith.constant 0 : i32
        %dma_wait3A_538 = tpu.memref_slice %arg3[%dma_wait3A_536, %dma_wait3A_537] : memref<200000x128xf32, #tpu.memory_space<hbm>> -> memref<128x128xf32, #tpu.memory_space<hbm>>
        tpu.wait_dma2 semaphore(%arg9 : memref<!tpu.dma_semaphore, #tpu.memory_space<semaphore_mem>>) src(%dma_wait3A_538 : memref<128x128xf32, #tpu.memory_space<hbm>>) dst(%dma_wait3A_535 : memref<128x128xf32, #tpu.memory_space<vmem>>)
        %mul3A_539 = arith.constant 4 : i32
        %mul3A_540 = arith.muli %add3A_129, %mul3A_539 : i32
        %add3A_541 = arith.constant 3 : i32
        %add3A_542 = arith.addi %mul3A_540, %add3A_541 : i32
        %sub3A_543 = arith.constant 1 : i32
        %sub3A_544 = arith.subi %add3A_542, %sub3A_543 : i32
        %mul3A_545 = arith.constant 256 : i32
        %mul3A_546 = arith.muli %sub3A_544, %mul3A_545 : i32
        %add3A_547 = arith.addi %mul3A_2, %mul3A_546 : i32
        %multiple_of3A_548 = tpu.assume_multiple %add3A_547, 256 : i32
        %dma_start3A_549 = arith.constant 0 : i32
        %dma_start3A_550 = arith.constant 0 : i32
        %dma_start3A_551 = arith.constant 0 : i32
        %dma_start3A_552 = tpu.memref_slice %arg6[%dma_start3A_549, %dma_start3A_550, %dma_start3A_551] : memref<2x256x128xf32, #tpu.memory_space<vmem>> -> memref<1x256x128xf32, #tpu.memory_space<vmem>>
        %dma_start3A_553 = tpu.memref_squeeze %dma_start3A_552 : memref<1x256x128xf32, #tpu.memory_space<vmem>> -> memref<256x128xf32, #tpu.memory_space<vmem>>
        %dma_start3A_554 = arith.constant 0 : i32
        %dma_start3A_555 = tpu.memref_slice %arg4[%multiple_of3A_548, %dma_start3A_554] : memref<819200x128xf32, #tpu.memory_space<hbm>> -> memref<256x128xf32, #tpu.memory_space<hbm>>
        %dma_start3A_556 = arith.constant 0 : i32
        %dma_start3A_557 = tpu.memref_slice %arg4[%multiple_of3A_548, %dma_start3A_556] : memref<819200x128xf32, #tpu.memory_space<hbm>> -> memref<256x128xf32, #tpu.memory_space<hbm>>
        %dma_start3A_558 = arith.constant 0 : i32
        %dma_start3A_559 = arith.constant 0 : i32
        %dma_start3A_560 = tpu.memref_slice %arg6[%dma_start3A_549, %dma_start3A_558, %dma_start3A_559] : memref<2x256x128xf32, #tpu.memory_space<vmem>> -> memref<1x256x128xf32, #tpu.memory_space<vmem>>
        %dma_start3A_561 = tpu.memref_squeeze %dma_start3A_560 : memref<1x256x128xf32, #tpu.memory_space<vmem>> -> memref<256x128xf32, #tpu.memory_space<vmem>>
        tpu.enqueue_dma source(%dma_start3A_561 : memref<256x128xf32, #tpu.memory_space<vmem>>) target(%dma_start3A_557 : memref<256x128xf32, #tpu.memory_space<hbm>>) target_semaphore(%arg11 : memref<!tpu.dma_semaphore, #tpu.memory_space<semaphore_mem>>)
      } else {
      }
      %mul3A_132 = arith.constant 2 : i32
      %mul3A_133 = arith.muli %mul3A_132, %scan3A_125 : i32
      %add3A_134 = arith.constant 1 : i32
      %add3A_135 = arith.addi %mul3A_133, %add3A_134 : i32
      %lt3A_136 = arith.constant 25 : i32
      %lt3A_137 = arith.cmpi slt, %add3A_135, %lt3A_136 : i32
      %convert_element_type3A_138 = arith.extui %lt3A_137 : i1 to i32
      %cond3A_139 = arith.constant 0 : i32
      %cond3A_140 = arith.cmpi ne, %convert_element_type3A_138, %cond3A_139 : i32
      scf.if %cond3A_140 {
        %dma_wait3A_141 = arith.constant 1 : i32
        %dma_wait3A_142 = arith.constant 0 : i32
        %dma_wait3A_143 = arith.constant 0 : i32
        %dma_wait3A_144 = tpu.memref_slice %arg5[%dma_wait3A_141, %dma_wait3A_142, %dma_wait3A_143] : memref<2x8x128xi32, #tpu.memory_space<vmem>> -> memref<1x8x128xi32, #tpu.memory_space<vmem>>
        %dma_wait3A_145 = tpu.memref_squeeze %dma_wait3A_144 : memref<1x8x128xi32, #tpu.memory_space<vmem>> -> memref<8x128xi32, #tpu.memory_space<vmem>>
        %dma_wait3A_146 = arith.constant 0 : i32
        %dma_wait3A_147 = arith.constant 0 : i32
        %dma_wait3A_148 = tpu.memref_slice %arg2[%dma_wait3A_146, %dma_wait3A_147] : memref<6400x128xi32, #tpu.memory_space<hbm>> -> memref<8x128xi32, #tpu.memory_space<hbm>>
        %dma_wait3A_149 = arith.constant 0 : i32
        %dma_wait3A_150 = arith.constant 0 : i32
        %dma_wait3A_151 = tpu.memref_slice %arg5[%dma_wait3A_141, %dma_wait3A_149, %dma_wait3A_150] : memref<2x8x128xi32, #tpu.memory_space<vmem>> -> memref<1x8x128xi32, #tpu.memory_space<vmem>>
        %dma_wait3A_152 = tpu.memref_squeeze %dma_wait3A_151 : memref<1x8x128xi32, #tpu.memory_space<vmem>> -> memref<8x128xi32, #tpu.memory_space<vmem>>
        %dma_wait3A_153 = arith.constant 0 : i32
        %dma_wait3A_154 = arith.constant 0 : i32
        %dma_wait3A_155 = tpu.memref_slice %arg2[%dma_wait3A_153, %dma_wait3A_154] : memref<6400x128xi32, #tpu.memory_space<hbm>> -> memref<8x128xi32, #tpu.memory_space<hbm>>
        tpu.wait_dma2 semaphore(%arg8 : memref<!tpu.dma_semaphore, #tpu.memory_space<semaphore_mem>>) src(%dma_wait3A_155 : memref<8x128xi32, #tpu.memory_space<hbm>>) dst(%dma_wait3A_152 : memref<8x128xi32, #tpu.memory_space<vmem>>)
        %ge3A = arith.constant 1 : i32
        %ge3A_156 = arith.cmpi sge, %add3A_135, %ge3A : i32
        %convert_element_type3A_157 = arith.extui %ge3A_156 : i1 to i32
        %cond3A_158 = arith.constant 0 : i32
        %cond3A_159 = arith.cmpi ne, %convert_element_type3A_157, %cond3A_158 : i32
        scf.if %cond3A_159 {
          %dma_wait3A_562 = arith.constant 0 : i32
          %dma_wait3A_563 = arith.constant 0 : i32
          %dma_wait3A_564 = arith.constant 0 : i32
          %dma_wait3A_565 = tpu.memref_slice %arg6[%dma_wait3A_562, %dma_wait3A_563, %dma_wait3A_564] : memref<2x256x128xf32, #tpu.memory_space<vmem>> -> memref<1x256x128xf32, #tpu.memory_space<vmem>>
          %dma_wait3A_566 = tpu.memref_squeeze %dma_wait3A_565 : memref<1x256x128xf32, #tpu.memory_space<vmem>> -> memref<256x128xf32, #tpu.memory_space<vmem>>
          %dma_wait3A_567 = arith.constant 0 : i32
          %dma_wait3A_568 = arith.constant 0 : i32
          %dma_wait3A_569 = tpu.memref_slice %arg4[%dma_wait3A_567, %dma_wait3A_568] : memref<819200x128xf32, #tpu.memory_space<hbm>> -> memref<256x128xf32, #tpu.memory_space<hbm>>
          %dma_wait3A_570 = arith.constant 0 : i32
          %dma_wait3A_571 = arith.constant 0 : i32
          %dma_wait3A_572 = tpu.memref_slice %arg4[%dma_wait3A_570, %dma_wait3A_571] : memref<819200x128xf32, #tpu.memory_space<hbm>> -> memref<256x128xf32, #tpu.memory_space<hbm>>
          %dma_wait3A_573 = arith.constant 0 : i32
          %dma_wait3A_574 = arith.constant 0 : i32
          %dma_wait3A_575 = tpu.memref_slice %arg6[%dma_wait3A_562, %dma_wait3A_573, %dma_wait3A_574] : memref<2x256x128xf32, #tpu.memory_space<vmem>> -> memref<1x256x128xf32, #tpu.memory_space<vmem>>
          %dma_wait3A_576 = tpu.memref_squeeze %dma_wait3A_575 : memref<1x256x128xf32, #tpu.memory_space<vmem>> -> memref<256x128xf32, #tpu.memory_space<vmem>>
          tpu.wait_dma2 semaphore(%arg11 : memref<!tpu.dma_semaphore, #tpu.memory_space<semaphore_mem>>) src(%dma_wait3A_576 : memref<256x128xf32, #tpu.memory_space<vmem>>) dst(%dma_wait3A_572 : memref<256x128xf32, #tpu.memory_space<hbm>>)
        } else {
        }
        %dma_start3A_160 = arith.constant 1 : i32
        %dma_start3A_161 = arith.constant 0 : i32
        %dma_start3A_162 = arith.constant 0 : i32
        %dma_start3A_163 = arith.constant 0 : i32
        %dma_start3A_164 = arith.constant 0 : i32
        %dma_start3A_165 = tpu.memref_slice %arg6[%dma_start3A_162, %dma_start3A_163, %dma_start3A_164] : memref<2x256x128xf32, #tpu.memory_space<vmem>> -> memref<1x256x128xf32, #tpu.memory_space<vmem>>
        %dma_start3A_166 = tpu.memref_squeeze %dma_start3A_165 : memref<1x256x128xf32, #tpu.memory_space<vmem>> -> memref<256x128xf32, #tpu.memory_space<vmem>>
        %dma_start3A_167 = arith.constant 0 : i32
        %dma_start3A_168 = arith.constant 0 : i32
        %dma_start3A_169 = tpu.memref_slice %dma_start3A_166[%dma_start3A_167, %dma_start3A_168] : memref<256x128xf32, #tpu.memory_space<vmem>> -> memref<128x128xf32, #tpu.memory_space<vmem>>
        %dma_start3A_170 = arith.constant 0 : i32
        %dma_start3A_171 = arith.constant 0 : i32
        %dma_start3A_172 = tpu.memref_slice %arg5[%dma_start3A_160, %dma_start3A_170, %dma_start3A_171] : memref<2x8x128xi32, #tpu.memory_space<vmem>> -> memref<1x8x128xi32, #tpu.memory_space<vmem>>
        %dma_start3A_173 = tpu.memref_squeeze %dma_start3A_172 : memref<1x8x128xi32, #tpu.memory_space<vmem>> -> memref<8x128xi32, #tpu.memory_space<vmem>>
        %dma_start3A_174 = arith.constant 0 : i32
        %dma_start3A_175 = tpu.memref_slice %dma_start3A_173[%dma_start3A_161, %dma_start3A_174] : memref<8x128xi32, #tpu.memory_space<vmem>> -> memref<1x128xi32, #tpu.memory_space<vmem>>
        %dma_start3A_176 = tpu.memref_squeeze %dma_start3A_175 : memref<1x128xi32, #tpu.memory_space<vmem>> -> memref<128xi32, #tpu.memory_space<vmem>>
        %dma_start3A_177 = arith.constant 0 : i32
        %dma_start3A_178 = arith.constant 0 : i32
        %dma_start3A_179 = tpu.memref_slice %arg3[%dma_start3A_177, %dma_start3A_178] : memref<200000x128xf32, #tpu.memory_space<hbm>> -> memref<200000x128xf32, #tpu.memory_space<hbm>>
        tpu.enqueue_indirect_dma source(%dma_start3A_179 : memref<200000x128xf32, #tpu.memory_space<hbm>>) target(%dma_start3A_169 : memref<128x128xf32, #tpu.memory_space<vmem>>) offsets(%dma_start3A_176 : memref<128xi32, #tpu.memory_space<vmem>>) semaphore(%arg9 : memref<!tpu.dma_semaphore, #tpu.memory_space<semaphore_mem>>)
        %dma_start3A_180 = arith.constant 1 : i32
        %dma_start3A_181 = arith.constant 1 : i32
        %dma_start3A_182 = arith.constant 0 : i32
        %dma_start3A_183 = arith.constant 0 : i32
        %dma_start3A_184 = arith.constant 0 : i32
        %dma_start3A_185 = tpu.memref_slice %arg6[%dma_start3A_182, %dma_start3A_183, %dma_start3A_184] : memref<2x256x128xf32, #tpu.memory_space<vmem>> -> memref<1x256x128xf32, #tpu.memory_space<vmem>>
        %dma_start3A_186 = tpu.memref_squeeze %dma_start3A_185 : memref<1x256x128xf32, #tpu.memory_space<vmem>> -> memref<256x128xf32, #tpu.memory_space<vmem>>
        %dma_start3A_187 = arith.constant 128 : i32
        %dma_start3A_188 = arith.constant 0 : i32
        %dma_start3A_189 = tpu.memref_slice %dma_start3A_186[%dma_start3A_187, %dma_start3A_188] : memref<256x128xf32, #tpu.memory_space<vmem>> -> memref<128x128xf32, #tpu.memory_space<vmem>>
        %dma_start3A_190 = arith.constant 0 : i32
        %dma_start3A_191 = arith.constant 0 : i32
        %dma_start3A_192 = tpu.memref_slice %arg5[%dma_start3A_180, %dma_start3A_190, %dma_start3A_191] : memref<2x8x128xi32, #tpu.memory_space<vmem>> -> memref<1x8x128xi32, #tpu.memory_space<vmem>>
        %dma_start3A_193 = tpu.memref_squeeze %dma_start3A_192 : memref<1x8x128xi32, #tpu.memory_space<vmem>> -> memref<8x128xi32, #tpu.memory_space<vmem>>
        %dma_start3A_194 = arith.constant 0 : i32
        %dma_start3A_195 = tpu.memref_slice %dma_start3A_193[%dma_start3A_181, %dma_start3A_194] : memref<8x128xi32, #tpu.memory_space<vmem>> -> memref<1x128xi32, #tpu.memory_space<vmem>>
        %dma_start3A_196 = tpu.memref_squeeze %dma_start3A_195 : memref<1x128xi32, #tpu.memory_space<vmem>> -> memref<128xi32, #tpu.memory_space<vmem>>
        %dma_start3A_197 = arith.constant 0 : i32
        %dma_start3A_198 = arith.constant 0 : i32
        %dma_start3A_199 = tpu.memref_slice %arg3[%dma_start3A_197, %dma_start3A_198] : memref<200000x128xf32, #tpu.memory_space<hbm>> -> memref<200000x128xf32, #tpu.memory_space<hbm>>
        tpu.enqueue_indirect_dma source(%dma_start3A_199 : memref<200000x128xf32, #tpu.memory_space<hbm>>) target(%dma_start3A_189 : memref<128x128xf32, #tpu.memory_space<vmem>>) offsets(%dma_start3A_196 : memref<128xi32, #tpu.memory_space<vmem>>) semaphore(%arg9 : memref<!tpu.dma_semaphore, #tpu.memory_space<semaphore_mem>>)
        %ge3A_200 = arith.constant 1 : i32
        %ge3A_201 = arith.cmpi sge, %add3A_135, %ge3A_200 : i32
        %convert_element_type3A_202 = arith.extui %ge3A_201 : i1 to i32
        %cond3A_203 = arith.constant 0 : i32
        %cond3A_204 = arith.cmpi ne, %convert_element_type3A_202, %cond3A_203 : i32
        scf.if %cond3A_204 {
          %dma_wait3A_562 = arith.constant 1 : i32
          %dma_wait3A_563 = arith.constant 0 : i32
          %dma_wait3A_564 = arith.constant 0 : i32
          %dma_wait3A_565 = tpu.memref_slice %arg6[%dma_wait3A_562, %dma_wait3A_563, %dma_wait3A_564] : memref<2x256x128xf32, #tpu.memory_space<vmem>> -> memref<1x256x128xf32, #tpu.memory_space<vmem>>
          %dma_wait3A_566 = tpu.memref_squeeze %dma_wait3A_565 : memref<1x256x128xf32, #tpu.memory_space<vmem>> -> memref<256x128xf32, #tpu.memory_space<vmem>>
          %dma_wait3A_567 = arith.constant 0 : i32
          %dma_wait3A_568 = arith.constant 0 : i32
          %dma_wait3A_569 = tpu.memref_slice %dma_wait3A_566[%dma_wait3A_567, %dma_wait3A_568] : memref<256x128xf32, #tpu.memory_space<vmem>> -> memref<128x128xf32, #tpu.memory_space<vmem>>
          %dma_wait3A_570 = arith.constant 0 : i32
          %dma_wait3A_571 = arith.constant 0 : i32
          %dma_wait3A_572 = tpu.memref_slice %arg3[%dma_wait3A_570, %dma_wait3A_571] : memref<200000x128xf32, #tpu.memory_space<hbm>> -> memref<128x128xf32, #tpu.memory_space<hbm>>
          %dma_wait3A_573 = arith.constant 0 : i32
          %dma_wait3A_574 = arith.constant 0 : i32
          %dma_wait3A_575 = tpu.memref_slice %arg6[%dma_wait3A_562, %dma_wait3A_573, %dma_wait3A_574] : memref<2x256x128xf32, #tpu.memory_space<vmem>> -> memref<1x256x128xf32, #tpu.memory_space<vmem>>
          %dma_wait3A_576 = tpu.memref_squeeze %dma_wait3A_575 : memref<1x256x128xf32, #tpu.memory_space<vmem>> -> memref<256x128xf32, #tpu.memory_space<vmem>>
          %dma_wait3A_577 = arith.constant 0 : i32
          %dma_wait3A_578 = arith.constant 0 : i32
          %dma_wait3A_579 = tpu.memref_slice %dma_wait3A_576[%dma_wait3A_577, %dma_wait3A_578] : memref<256x128xf32, #tpu.memory_space<vmem>> -> memref<128x128xf32, #tpu.memory_space<vmem>>
          %dma_wait3A_580 = arith.constant 0 : i32
          %dma_wait3A_581 = arith.constant 0 : i32
          %dma_wait3A_582 = tpu.memref_slice %arg3[%dma_wait3A_580, %dma_wait3A_581] : memref<200000x128xf32, #tpu.memory_space<hbm>> -> memref<128x128xf32, #tpu.memory_space<hbm>>
          tpu.wait_dma2 semaphore(%arg10 : memref<!tpu.dma_semaphore, #tpu.memory_space<semaphore_mem>>) src(%dma_wait3A_582 : memref<128x128xf32, #tpu.memory_space<hbm>>) dst(%dma_wait3A_579 : memref<128x128xf32, #tpu.memory_space<vmem>>)
          %dma_wait3A_583 = arith.constant 1 : i32
          %dma_wait3A_584 = arith.constant 0 : i32
          %dma_wait3A_585 = arith.constant 0 : i32
          %dma_wait3A_586 = tpu.memref_slice %arg6[%dma_wait3A_583, %dma_wait3A_584, %dma_wait3A_585] : memref<2x256x128xf32, #tpu.memory_space<vmem>> -> memref<1x256x128xf32, #tpu.memory_space<vmem>>
          %dma_wait3A_587 = tpu.memref_squeeze %dma_wait3A_586 : memref<1x256x128xf32, #tpu.memory_space<vmem>> -> memref<256x128xf32, #tpu.memory_space<vmem>>
          %dma_wait3A_588 = arith.constant 128 : i32
          %dma_wait3A_589 = arith.constant 0 : i32
          %dma_wait3A_590 = tpu.memref_slice %dma_wait3A_587[%dma_wait3A_588, %dma_wait3A_589] : memref<256x128xf32, #tpu.memory_space<vmem>> -> memref<128x128xf32, #tpu.memory_space<vmem>>
          %dma_wait3A_591 = arith.constant 0 : i32
          %dma_wait3A_592 = arith.constant 0 : i32
          %dma_wait3A_593 = tpu.memref_slice %arg3[%dma_wait3A_591, %dma_wait3A_592] : memref<200000x128xf32, #tpu.memory_space<hbm>> -> memref<128x128xf32, #tpu.memory_space<hbm>>
          %dma_wait3A_594 = arith.constant 0 : i32
          %dma_wait3A_595 = arith.constant 0 : i32
          %dma_wait3A_596 = tpu.memref_slice %arg6[%dma_wait3A_583, %dma_wait3A_594, %dma_wait3A_595] : memref<2x256x128xf32, #tpu.memory_space<vmem>> -> memref<1x256x128xf32, #tpu.memory_space<vmem>>
          %dma_wait3A_597 = tpu.memref_squeeze %dma_wait3A_596 : memref<1x256x128xf32, #tpu.memory_space<vmem>> -> memref<256x128xf32, #tpu.memory_space<vmem>>
          %dma_wait3A_598 = arith.constant 128 : i32
          %dma_wait3A_599 = arith.constant 0 : i32
          %dma_wait3A_600 = tpu.memref_slice %dma_wait3A_597[%dma_wait3A_598, %dma_wait3A_599] : memref<256x128xf32, #tpu.memory_space<vmem>> -> memref<128x128xf32, #tpu.memory_space<vmem>>
          %dma_wait3A_601 = arith.constant 0 : i32
          %dma_wait3A_602 = arith.constant 0 : i32
          %dma_wait3A_603 = tpu.memref_slice %arg3[%dma_wait3A_601, %dma_wait3A_602] : memref<200000x128xf32, #tpu.memory_space<hbm>> -> memref<128x128xf32, #tpu.memory_space<hbm>>
          tpu.wait_dma2 semaphore(%arg10 : memref<!tpu.dma_semaphore, #tpu.memory_space<semaphore_mem>>) src(%dma_wait3A_603 : memref<128x128xf32, #tpu.memory_space<hbm>>) dst(%dma_wait3A_600 : memref<128x128xf32, #tpu.memory_space<vmem>>)
          %mul3A_604 = arith.constant 4 : i32
          %mul3A_605 = arith.muli %add3A_135, %mul3A_604 : i32
          %sub3A_606 = arith.constant 1 : i32
          %sub3A_607 = arith.subi %mul3A_605, %sub3A_606 : i32
          %mul3A_608 = arith.constant 256 : i32
          %mul3A_609 = arith.muli %sub3A_607, %mul3A_608 : i32
          %add3A_610 = arith.addi %mul3A_2, %mul3A_609 : i32
          %multiple_of3A_611 = tpu.assume_multiple %add3A_610, 256 : i32
          %dma_start3A_612 = arith.constant 1 : i32
          %dma_start3A_613 = arith.constant 0 : i32
          %dma_start3A_614 = arith.constant 0 : i32
          %dma_start3A_615 = tpu.memref_slice %arg6[%dma_start3A_612, %dma_start3A_613, %dma_start3A_614] : memref<2x256x128xf32, #tpu.memory_space<vmem>> -> memref<1x256x128xf32, #tpu.memory_space<vmem>>
          %dma_start3A_616 = tpu.memref_squeeze %dma_start3A_615 : memref<1x256x128xf32, #tpu.memory_space<vmem>> -> memref<256x128xf32, #tpu.memory_space<vmem>>
          %dma_start3A_617 = arith.constant 0 : i32
          %dma_start3A_618 = tpu.memref_slice %arg4[%multiple_of3A_611, %dma_start3A_617] : memref<819200x128xf32, #tpu.memory_space<hbm>> -> memref<256x128xf32, #tpu.memory_space<hbm>>
          %dma_start3A_619 = arith.constant 0 : i32
          %dma_start3A_620 = tpu.memref_slice %arg4[%multiple_of3A_611, %dma_start3A_619] : memref<819200x128xf32, #tpu.memory_space<hbm>> -> memref<256x128xf32, #tpu.memory_space<hbm>>
          %dma_start3A_621 = arith.constant 0 : i32
          %dma_start3A_622 = arith.constant 0 : i32
          %dma_start3A_623 = tpu.memref_slice %arg6[%dma_start3A_612, %dma_start3A_621, %dma_start3A_622] : memref<2x256x128xf32, #tpu.memory_space<vmem>> -> memref<1x256x128xf32, #tpu.memory_space<vmem>>
          %dma_start3A_624 = tpu.memref_squeeze %dma_start3A_623 : memref<1x256x128xf32, #tpu.memory_space<vmem>> -> memref<256x128xf32, #tpu.memory_space<vmem>>
          tpu.enqueue_dma source(%dma_start3A_624 : memref<256x128xf32, #tpu.memory_space<vmem>>) target(%dma_start3A_620 : memref<256x128xf32, #tpu.memory_space<hbm>>) target_semaphore(%arg12 : memref<!tpu.dma_semaphore, #tpu.memory_space<semaphore_mem>>)
        } else {
        }
        %add3A_205 = arith.constant 1 : i32
        %add3A_206 = arith.addi %add3A_135, %add3A_205 : i32
        %lt3A_207 = arith.constant 25 : i32
        %lt3A_208 = arith.cmpi slt, %add3A_206, %lt3A_207 : i32
        %convert_element_type3A_209 = arith.extui %lt3A_208 : i1 to i32
        %cond3A_210 = arith.constant 0 : i32
        %cond3A_211 = arith.cmpi ne, %convert_element_type3A_209, %cond3A_210 : i32
        scf.if %cond3A_211 {
          %add3A_562 = arith.constant 1 : i32
          %add3A_563 = arith.addi %add3A_135, %add3A_562 : i32
          %mul3A_564 = arith.constant 8 : i32
          %mul3A_565 = arith.muli %add3A_563, %mul3A_564 : i32
          %add3A_566 = arith.addi %select_n3A, %mul3A_565 : i32
          %multiple_of3A_567 = tpu.assume_multiple %add3A_566, 8 : i32
          %dma_start3A_568 = arith.constant 0 : i32
          %dma_start3A_569 = arith.constant 0 : i32
          %dma_start3A_570 = arith.constant 0 : i32
          %dma_start3A_571 = tpu.memref_slice %arg5[%dma_start3A_568, %dma_start3A_569, %dma_start3A_570] : memref<2x8x128xi32, #tpu.memory_space<vmem>> -> memref<1x8x128xi32, #tpu.memory_space<vmem>>
          %dma_start3A_572 = tpu.memref_squeeze %dma_start3A_571 : memref<1x8x128xi32, #tpu.memory_space<vmem>> -> memref<8x128xi32, #tpu.memory_space<vmem>>
          %dma_start3A_573 = arith.constant 0 : i32
          %dma_start3A_574 = tpu.memref_slice %arg2[%multiple_of3A_567, %dma_start3A_573] : memref<6400x128xi32, #tpu.memory_space<hbm>> -> memref<8x128xi32, #tpu.memory_space<hbm>>
          %dma_start3A_575 = arith.constant 0 : i32
          %dma_start3A_576 = arith.constant 0 : i32
          %dma_start3A_577 = tpu.memref_slice %arg5[%dma_start3A_568, %dma_start3A_575, %dma_start3A_576] : memref<2x8x128xi32, #tpu.memory_space<vmem>> -> memref<1x8x128xi32, #tpu.memory_space<vmem>>
          %dma_start3A_578 = tpu.memref_squeeze %dma_start3A_577 : memref<1x8x128xi32, #tpu.memory_space<vmem>> -> memref<8x128xi32, #tpu.memory_space<vmem>>
          %dma_start3A_579 = arith.constant 0 : i32
          %dma_start3A_580 = tpu.memref_slice %arg2[%multiple_of3A_567, %dma_start3A_579] : memref<6400x128xi32, #tpu.memory_space<hbm>> -> memref<8x128xi32, #tpu.memory_space<hbm>>
          tpu.enqueue_dma source(%dma_start3A_580 : memref<8x128xi32, #tpu.memory_space<hbm>>) target(%dma_start3A_578 : memref<8x128xi32, #tpu.memory_space<vmem>>) target_semaphore(%arg7 : memref<!tpu.dma_semaphore, #tpu.memory_space<semaphore_mem>>)
        } else {
        }
        %ge3A_212 = arith.constant 1 : i32
        %ge3A_213 = arith.cmpi sge, %add3A_135, %ge3A_212 : i32
        %convert_element_type3A_214 = arith.extui %ge3A_213 : i1 to i32
        %cond3A_215 = arith.constant 0 : i32
        %cond3A_216 = arith.cmpi ne, %convert_element_type3A_214, %cond3A_215 : i32
        scf.if %cond3A_216 {
          %dma_wait3A_562 = arith.constant 1 : i32
          %dma_wait3A_563 = arith.constant 0 : i32
          %dma_wait3A_564 = arith.constant 0 : i32
          %dma_wait3A_565 = tpu.memref_slice %arg6[%dma_wait3A_562, %dma_wait3A_563, %dma_wait3A_564] : memref<2x256x128xf32, #tpu.memory_space<vmem>> -> memref<1x256x128xf32, #tpu.memory_space<vmem>>
          %dma_wait3A_566 = tpu.memref_squeeze %dma_wait3A_565 : memref<1x256x128xf32, #tpu.memory_space<vmem>> -> memref<256x128xf32, #tpu.memory_space<vmem>>
          %dma_wait3A_567 = arith.constant 0 : i32
          %dma_wait3A_568 = arith.constant 0 : i32
          %dma_wait3A_569 = tpu.memref_slice %arg4[%dma_wait3A_567, %dma_wait3A_568] : memref<819200x128xf32, #tpu.memory_space<hbm>> -> memref<256x128xf32, #tpu.memory_space<hbm>>
          %dma_wait3A_570 = arith.constant 0 : i32
          %dma_wait3A_571 = arith.constant 0 : i32
          %dma_wait3A_572 = tpu.memref_slice %arg4[%dma_wait3A_570, %dma_wait3A_571] : memref<819200x128xf32, #tpu.memory_space<hbm>> -> memref<256x128xf32, #tpu.memory_space<hbm>>
          %dma_wait3A_573 = arith.constant 0 : i32
          %dma_wait3A_574 = arith.constant 0 : i32
          %dma_wait3A_575 = tpu.memref_slice %arg6[%dma_wait3A_562, %dma_wait3A_573, %dma_wait3A_574] : memref<2x256x128xf32, #tpu.memory_space<vmem>> -> memref<1x256x128xf32, #tpu.memory_space<vmem>>
          %dma_wait3A_576 = tpu.memref_squeeze %dma_wait3A_575 : memref<1x256x128xf32, #tpu.memory_space<vmem>> -> memref<256x128xf32, #tpu.memory_space<vmem>>
          tpu.wait_dma2 semaphore(%arg12 : memref<!tpu.dma_semaphore, #tpu.memory_space<semaphore_mem>>) src(%dma_wait3A_576 : memref<256x128xf32, #tpu.memory_space<vmem>>) dst(%dma_wait3A_572 : memref<256x128xf32, #tpu.memory_space<hbm>>)
        } else {
        }
        %dma_start3A_217 = arith.constant 1 : i32
        %dma_start3A_218 = arith.constant 2 : i32
        %dma_start3A_219 = arith.constant 1 : i32
        %dma_start3A_220 = arith.constant 0 : i32
        %dma_start3A_221 = arith.constant 0 : i32
        %dma_start3A_222 = tpu.memref_slice %arg6[%dma_start3A_219, %dma_start3A_220, %dma_start3A_221] : memref<2x256x128xf32, #tpu.memory_space<vmem>> -> memref<1x256x128xf32, #tpu.memory_space<vmem>>
        %dma_start3A_223 = tpu.memref_squeeze %dma_start3A_222 : memref<1x256x128xf32, #tpu.memory_space<vmem>> -> memref<256x128xf32, #tpu.memory_space<vmem>>
        %dma_start3A_224 = arith.constant 0 : i32
        %dma_start3A_225 = arith.constant 0 : i32
        %dma_start3A_226 = tpu.memref_slice %dma_start3A_223[%dma_start3A_224, %dma_start3A_225] : memref<256x128xf32, #tpu.memory_space<vmem>> -> memref<128x128xf32, #tpu.memory_space<vmem>>
        %dma_start3A_227 = arith.constant 0 : i32
        %dma_start3A_228 = arith.constant 0 : i32
        %dma_start3A_229 = tpu.memref_slice %arg5[%dma_start3A_217, %dma_start3A_227, %dma_start3A_228] : memref<2x8x128xi32, #tpu.memory_space<vmem>> -> memref<1x8x128xi32, #tpu.memory_space<vmem>>
        %dma_start3A_230 = tpu.memref_squeeze %dma_start3A_229 : memref<1x8x128xi32, #tpu.memory_space<vmem>> -> memref<8x128xi32, #tpu.memory_space<vmem>>
        %dma_start3A_231 = arith.constant 0 : i32
        %dma_start3A_232 = tpu.memref_slice %dma_start3A_230[%dma_start3A_218, %dma_start3A_231] : memref<8x128xi32, #tpu.memory_space<vmem>> -> memref<1x128xi32, #tpu.memory_space<vmem>>
        %dma_start3A_233 = tpu.memref_squeeze %dma_start3A_232 : memref<1x128xi32, #tpu.memory_space<vmem>> -> memref<128xi32, #tpu.memory_space<vmem>>
        %dma_start3A_234 = arith.constant 0 : i32
        %dma_start3A_235 = arith.constant 0 : i32
        %dma_start3A_236 = tpu.memref_slice %arg3[%dma_start3A_234, %dma_start3A_235] : memref<200000x128xf32, #tpu.memory_space<hbm>> -> memref<200000x128xf32, #tpu.memory_space<hbm>>
        tpu.enqueue_indirect_dma source(%dma_start3A_236 : memref<200000x128xf32, #tpu.memory_space<hbm>>) target(%dma_start3A_226 : memref<128x128xf32, #tpu.memory_space<vmem>>) offsets(%dma_start3A_233 : memref<128xi32, #tpu.memory_space<vmem>>) semaphore(%arg10 : memref<!tpu.dma_semaphore, #tpu.memory_space<semaphore_mem>>)
        %dma_start3A_237 = arith.constant 1 : i32
        %dma_start3A_238 = arith.constant 3 : i32
        %dma_start3A_239 = arith.constant 1 : i32
        %dma_start3A_240 = arith.constant 0 : i32
        %dma_start3A_241 = arith.constant 0 : i32
        %dma_start3A_242 = tpu.memref_slice %arg6[%dma_start3A_239, %dma_start3A_240, %dma_start3A_241] : memref<2x256x128xf32, #tpu.memory_space<vmem>> -> memref<1x256x128xf32, #tpu.memory_space<vmem>>
        %dma_start3A_243 = tpu.memref_squeeze %dma_start3A_242 : memref<1x256x128xf32, #tpu.memory_space<vmem>> -> memref<256x128xf32, #tpu.memory_space<vmem>>
        %dma_start3A_244 = arith.constant 128 : i32
        %dma_start3A_245 = arith.constant 0 : i32
        %dma_start3A_246 = tpu.memref_slice %dma_start3A_243[%dma_start3A_244, %dma_start3A_245] : memref<256x128xf32, #tpu.memory_space<vmem>> -> memref<128x128xf32, #tpu.memory_space<vmem>>
        %dma_start3A_247 = arith.constant 0 : i32
        %dma_start3A_248 = arith.constant 0 : i32
        %dma_start3A_249 = tpu.memref_slice %arg5[%dma_start3A_237, %dma_start3A_247, %dma_start3A_248] : memref<2x8x128xi32, #tpu.memory_space<vmem>> -> memref<1x8x128xi32, #tpu.memory_space<vmem>>
        %dma_start3A_250 = tpu.memref_squeeze %dma_start3A_249 : memref<1x8x128xi32, #tpu.memory_space<vmem>> -> memref<8x128xi32, #tpu.memory_space<vmem>>
        %dma_start3A_251 = arith.constant 0 : i32
        %dma_start3A_252 = tpu.memref_slice %dma_start3A_250[%dma_start3A_238, %dma_start3A_251] : memref<8x128xi32, #tpu.memory_space<vmem>> -> memref<1x128xi32, #tpu.memory_space<vmem>>
        %dma_start3A_253 = tpu.memref_squeeze %dma_start3A_252 : memref<1x128xi32, #tpu.memory_space<vmem>> -> memref<128xi32, #tpu.memory_space<vmem>>
        %dma_start3A_254 = arith.constant 0 : i32
        %dma_start3A_255 = arith.constant 0 : i32
        %dma_start3A_256 = tpu.memref_slice %arg3[%dma_start3A_254, %dma_start3A_255] : memref<200000x128xf32, #tpu.memory_space<hbm>> -> memref<200000x128xf32, #tpu.memory_space<hbm>>
        tpu.enqueue_indirect_dma source(%dma_start3A_256 : memref<200000x128xf32, #tpu.memory_space<hbm>>) target(%dma_start3A_246 : memref<128x128xf32, #tpu.memory_space<vmem>>) offsets(%dma_start3A_253 : memref<128xi32, #tpu.memory_space<vmem>>) semaphore(%arg10 : memref<!tpu.dma_semaphore, #tpu.memory_space<semaphore_mem>>)
        %dma_wait3A_257 = arith.constant 0 : i32
        %dma_wait3A_258 = arith.constant 0 : i32
        %dma_wait3A_259 = arith.constant 0 : i32
        %dma_wait3A_260 = tpu.memref_slice %arg6[%dma_wait3A_257, %dma_wait3A_258, %dma_wait3A_259] : memref<2x256x128xf32, #tpu.memory_space<vmem>> -> memref<1x256x128xf32, #tpu.memory_space<vmem>>
        %dma_wait3A_261 = tpu.memref_squeeze %dma_wait3A_260 : memref<1x256x128xf32, #tpu.memory_space<vmem>> -> memref<256x128xf32, #tpu.memory_space<vmem>>
        %dma_wait3A_262 = arith.constant 0 : i32
        %dma_wait3A_263 = arith.constant 0 : i32
        %dma_wait3A_264 = tpu.memref_slice %dma_wait3A_261[%dma_wait3A_262, %dma_wait3A_263] : memref<256x128xf32, #tpu.memory_space<vmem>> -> memref<128x128xf32, #tpu.memory_space<vmem>>
        %dma_wait3A_265 = arith.constant 0 : i32
        %dma_wait3A_266 = arith.constant 0 : i32
        %dma_wait3A_267 = tpu.memref_slice %arg3[%dma_wait3A_265, %dma_wait3A_266] : memref<200000x128xf32, #tpu.memory_space<hbm>> -> memref<128x128xf32, #tpu.memory_space<hbm>>
        %dma_wait3A_268 = arith.constant 0 : i32
        %dma_wait3A_269 = arith.constant 0 : i32
        %dma_wait3A_270 = tpu.memref_slice %arg6[%dma_wait3A_257, %dma_wait3A_268, %dma_wait3A_269] : memref<2x256x128xf32, #tpu.memory_space<vmem>> -> memref<1x256x128xf32, #tpu.memory_space<vmem>>
        %dma_wait3A_271 = tpu.memref_squeeze %dma_wait3A_270 : memref<1x256x128xf32, #tpu.memory_space<vmem>> -> memref<256x128xf32, #tpu.memory_space<vmem>>
        %dma_wait3A_272 = arith.constant 0 : i32
        %dma_wait3A_273 = arith.constant 0 : i32
        %dma_wait3A_274 = tpu.memref_slice %dma_wait3A_271[%dma_wait3A_272, %dma_wait3A_273] : memref<256x128xf32, #tpu.memory_space<vmem>> -> memref<128x128xf32, #tpu.memory_space<vmem>>
        %dma_wait3A_275 = arith.constant 0 : i32
        %dma_wait3A_276 = arith.constant 0 : i32
        %dma_wait3A_277 = tpu.memref_slice %arg3[%dma_wait3A_275, %dma_wait3A_276] : memref<200000x128xf32, #tpu.memory_space<hbm>> -> memref<128x128xf32, #tpu.memory_space<hbm>>
        tpu.wait_dma2 semaphore(%arg9 : memref<!tpu.dma_semaphore, #tpu.memory_space<semaphore_mem>>) src(%dma_wait3A_277 : memref<128x128xf32, #tpu.memory_space<hbm>>) dst(%dma_wait3A_274 : memref<128x128xf32, #tpu.memory_space<vmem>>)
        %dma_wait3A_278 = arith.constant 0 : i32
        %dma_wait3A_279 = arith.constant 0 : i32
        %dma_wait3A_280 = arith.constant 0 : i32
        %dma_wait3A_281 = tpu.memref_slice %arg6[%dma_wait3A_278, %dma_wait3A_279, %dma_wait3A_280] : memref<2x256x128xf32, #tpu.memory_space<vmem>> -> memref<1x256x128xf32, #tpu.memory_space<vmem>>
        %dma_wait3A_282 = tpu.memref_squeeze %dma_wait3A_281 : memref<1x256x128xf32, #tpu.memory_space<vmem>> -> memref<256x128xf32, #tpu.memory_space<vmem>>
        %dma_wait3A_283 = arith.constant 128 : i32
        %dma_wait3A_284 = arith.constant 0 : i32
        %dma_wait3A_285 = tpu.memref_slice %dma_wait3A_282[%dma_wait3A_283, %dma_wait3A_284] : memref<256x128xf32, #tpu.memory_space<vmem>> -> memref<128x128xf32, #tpu.memory_space<vmem>>
        %dma_wait3A_286 = arith.constant 0 : i32
        %dma_wait3A_287 = arith.constant 0 : i32
        %dma_wait3A_288 = tpu.memref_slice %arg3[%dma_wait3A_286, %dma_wait3A_287] : memref<200000x128xf32, #tpu.memory_space<hbm>> -> memref<128x128xf32, #tpu.memory_space<hbm>>
        %dma_wait3A_289 = arith.constant 0 : i32
        %dma_wait3A_290 = arith.constant 0 : i32
        %dma_wait3A_291 = tpu.memref_slice %arg6[%dma_wait3A_278, %dma_wait3A_289, %dma_wait3A_290] : memref<2x256x128xf32, #tpu.memory_space<vmem>> -> memref<1x256x128xf32, #tpu.memory_space<vmem>>
        %dma_wait3A_292 = tpu.memref_squeeze %dma_wait3A_291 : memref<1x256x128xf32, #tpu.memory_space<vmem>> -> memref<256x128xf32, #tpu.memory_space<vmem>>
        %dma_wait3A_293 = arith.constant 128 : i32
        %dma_wait3A_294 = arith.constant 0 : i32
        %dma_wait3A_295 = tpu.memref_slice %dma_wait3A_292[%dma_wait3A_293, %dma_wait3A_294] : memref<256x128xf32, #tpu.memory_space<vmem>> -> memref<128x128xf32, #tpu.memory_space<vmem>>
        %dma_wait3A_296 = arith.constant 0 : i32
        %dma_wait3A_297 = arith.constant 0 : i32
        %dma_wait3A_298 = tpu.memref_slice %arg3[%dma_wait3A_296, %dma_wait3A_297] : memref<200000x128xf32, #tpu.memory_space<hbm>> -> memref<128x128xf32, #tpu.memory_space<hbm>>
        tpu.wait_dma2 semaphore(%arg9 : memref<!tpu.dma_semaphore, #tpu.memory_space<semaphore_mem>>) src(%dma_wait3A_298 : memref<128x128xf32, #tpu.memory_space<hbm>>) dst(%dma_wait3A_295 : memref<128x128xf32, #tpu.memory_space<vmem>>)
        %mul3A_299 = arith.constant 4 : i32
        %mul3A_300 = arith.muli %add3A_135, %mul3A_299 : i32
        %add3A_301 = arith.constant 1 : i32
        %add3A_302 = arith.addi %mul3A_300, %add3A_301 : i32
        %sub3A_303 = arith.constant 1 : i32
        %sub3A_304 = arith.subi %add3A_302, %sub3A_303 : i32
        %mul3A_305 = arith.constant 256 : i32
        %mul3A_306 = arith.muli %sub3A_304, %mul3A_305 : i32
        %add3A_307 = arith.addi %mul3A_2, %mul3A_306 : i32
        %multiple_of3A_308 = tpu.assume_multiple %add3A_307, 256 : i32
        %dma_start3A_309 = arith.constant 0 : i32
        %dma_start3A_310 = arith.constant 0 : i32
        %dma_start3A_311 = arith.constant 0 : i32
        %dma_start3A_312 = tpu.memref_slice %arg6[%dma_start3A_309, %dma_start3A_310, %dma_start3A_311] : memref<2x256x128xf32, #tpu.memory_space<vmem>> -> memref<1x256x128xf32, #tpu.memory_space<vmem>>
        %dma_start3A_313 = tpu.memref_squeeze %dma_start3A_312 : memref<1x256x128xf32, #tpu.memory_space<vmem>> -> memref<256x128xf32, #tpu.memory_space<vmem>>
        %dma_start3A_314 = arith.constant 0 : i32
        %dma_start3A_315 = tpu.memref_slice %arg4[%multiple_of3A_308, %dma_start3A_314] : memref<819200x128xf32, #tpu.memory_space<hbm>> -> memref<256x128xf32, #tpu.memory_space<hbm>>
        %dma_start3A_316 = arith.constant 0 : i32
        %dma_start3A_317 = tpu.memref_slice %arg4[%multiple_of3A_308, %dma_start3A_316] : memref<819200x128xf32, #tpu.memory_space<hbm>> -> memref<256x128xf32, #tpu.memory_space<hbm>>
        %dma_start3A_318 = arith.constant 0 : i32
        %dma_start3A_319 = arith.constant 0 : i32
        %dma_start3A_320 = tpu.memref_slice %arg6[%dma_start3A_309, %dma_start3A_318, %dma_start3A_319] : memref<2x256x128xf32, #tpu.memory_space<vmem>> -> memref<1x256x128xf32, #tpu.memory_space<vmem>>
        %dma_start3A_321 = tpu.memref_squeeze %dma_start3A_320 : memref<1x256x128xf32, #tpu.memory_space<vmem>> -> memref<256x128xf32, #tpu.memory_space<vmem>>
        tpu.enqueue_dma source(%dma_start3A_321 : memref<256x128xf32, #tpu.memory_space<vmem>>) target(%dma_start3A_317 : memref<256x128xf32, #tpu.memory_space<hbm>>) target_semaphore(%arg11 : memref<!tpu.dma_semaphore, #tpu.memory_space<semaphore_mem>>)
        %dma_wait3A_322 = arith.constant 0 : i32
        %dma_wait3A_323 = arith.constant 0 : i32
        %dma_wait3A_324 = arith.constant 0 : i32
        %dma_wait3A_325 = tpu.memref_slice %arg6[%dma_wait3A_322, %dma_wait3A_323, %dma_wait3A_324] : memref<2x256x128xf32, #tpu.memory_space<vmem>> -> memref<1x256x128xf32, #tpu.memory_space<vmem>>
        %dma_wait3A_326 = tpu.memref_squeeze %dma_wait3A_325 : memref<1x256x128xf32, #tpu.memory_space<vmem>> -> memref<256x128xf32, #tpu.memory_space<vmem>>
        %dma_wait3A_327 = arith.constant 0 : i32
        %dma_wait3A_328 = arith.constant 0 : i32
        %dma_wait3A_329 = tpu.memref_slice %arg4[%dma_wait3A_327, %dma_wait3A_328] : memref<819200x128xf32, #tpu.memory_space<hbm>> -> memref<256x128xf32, #tpu.memory_space<hbm>>
        %dma_wait3A_330 = arith.constant 0 : i32
        %dma_wait3A_331 = arith.constant 0 : i32
        %dma_wait3A_332 = tpu.memref_slice %arg4[%dma_wait3A_330, %dma_wait3A_331] : memref<819200x128xf32, #tpu.memory_space<hbm>> -> memref<256x128xf32, #tpu.memory_space<hbm>>
        %dma_wait3A_333 = arith.constant 0 : i32
        %dma_wait3A_334 = arith.constant 0 : i32
        %dma_wait3A_335 = tpu.memref_slice %arg6[%dma_wait3A_322, %dma_wait3A_333, %dma_wait3A_334] : memref<2x256x128xf32, #tpu.memory_space<vmem>> -> memref<1x256x128xf32, #tpu.memory_space<vmem>>
        %dma_wait3A_336 = tpu.memref_squeeze %dma_wait3A_335 : memref<1x256x128xf32, #tpu.memory_space<vmem>> -> memref<256x128xf32, #tpu.memory_space<vmem>>
        tpu.wait_dma2 semaphore(%arg11 : memref<!tpu.dma_semaphore, #tpu.memory_space<semaphore_mem>>) src(%dma_wait3A_336 : memref<256x128xf32, #tpu.memory_space<vmem>>) dst(%dma_wait3A_332 : memref<256x128xf32, #tpu.memory_space<hbm>>)
        %dma_start3A_337 = arith.constant 1 : i32
        %dma_start3A_338 = arith.constant 4 : i32
        %dma_start3A_339 = arith.constant 0 : i32
        %dma_start3A_340 = arith.constant 0 : i32
        %dma_start3A_341 = arith.constant 0 : i32
        %dma_start3A_342 = tpu.memref_slice %arg6[%dma_start3A_339, %dma_start3A_340, %dma_start3A_341] : memref<2x256x128xf32, #tpu.memory_space<vmem>> -> memref<1x256x128xf32, #tpu.memory_space<vmem>>
        %dma_start3A_343 = tpu.memref_squeeze %dma_start3A_342 : memref<1x256x128xf32, #tpu.memory_space<vmem>> -> memref<256x128xf32, #tpu.memory_space<vmem>>
        %dma_start3A_344 = arith.constant 0 : i32
        %dma_start3A_345 = arith.constant 0 : i32
        %dma_start3A_346 = tpu.memref_slice %dma_start3A_343[%dma_start3A_344, %dma_start3A_345] : memref<256x128xf32, #tpu.memory_space<vmem>> -> memref<128x128xf32, #tpu.memory_space<vmem>>
        %dma_start3A_347 = arith.constant 0 : i32
        %dma_start3A_348 = arith.constant 0 : i32
        %dma_start3A_349 = tpu.memref_slice %arg5[%dma_start3A_337, %dma_start3A_347, %dma_start3A_348] : memref<2x8x128xi32, #tpu.memory_space<vmem>> -> memref<1x8x128xi32, #tpu.memory_space<vmem>>
        %dma_start3A_350 = tpu.memref_squeeze %dma_start3A_349 : memref<1x8x128xi32, #tpu.memory_space<vmem>> -> memref<8x128xi32, #tpu.memory_space<vmem>>
        %dma_start3A_351 = arith.constant 0 : i32
        %dma_start3A_352 = tpu.memref_slice %dma_start3A_350[%dma_start3A_338, %dma_start3A_351] : memref<8x128xi32, #tpu.memory_space<vmem>> -> memref<1x128xi32, #tpu.memory_space<vmem>>
        %dma_start3A_353 = tpu.memref_squeeze %dma_start3A_352 : memref<1x128xi32, #tpu.memory_space<vmem>> -> memref<128xi32, #tpu.memory_space<vmem>>
        %dma_start3A_354 = arith.constant 0 : i32
        %dma_start3A_355 = arith.constant 0 : i32
        %dma_start3A_356 = tpu.memref_slice %arg3[%dma_start3A_354, %dma_start3A_355] : memref<200000x128xf32, #tpu.memory_space<hbm>> -> memref<200000x128xf32, #tpu.memory_space<hbm>>
        tpu.enqueue_indirect_dma source(%dma_start3A_356 : memref<200000x128xf32, #tpu.memory_space<hbm>>) target(%dma_start3A_346 : memref<128x128xf32, #tpu.memory_space<vmem>>) offsets(%dma_start3A_353 : memref<128xi32, #tpu.memory_space<vmem>>) semaphore(%arg9 : memref<!tpu.dma_semaphore, #tpu.memory_space<semaphore_mem>>)
        %dma_start3A_357 = arith.constant 1 : i32
        %dma_start3A_358 = arith.constant 5 : i32
        %dma_start3A_359 = arith.constant 0 : i32
        %dma_start3A_360 = arith.constant 0 : i32
        %dma_start3A_361 = arith.constant 0 : i32
        %dma_start3A_362 = tpu.memref_slice %arg6[%dma_start3A_359, %dma_start3A_360, %dma_start3A_361] : memref<2x256x128xf32, #tpu.memory_space<vmem>> -> memref<1x256x128xf32, #tpu.memory_space<vmem>>
        %dma_start3A_363 = tpu.memref_squeeze %dma_start3A_362 : memref<1x256x128xf32, #tpu.memory_space<vmem>> -> memref<256x128xf32, #tpu.memory_space<vmem>>
        %dma_start3A_364 = arith.constant 128 : i32
        %dma_start3A_365 = arith.constant 0 : i32
        %dma_start3A_366 = tpu.memref_slice %dma_start3A_363[%dma_start3A_364, %dma_start3A_365] : memref<256x128xf32, #tpu.memory_space<vmem>> -> memref<128x128xf32, #tpu.memory_space<vmem>>
        %dma_start3A_367 = arith.constant 0 : i32
        %dma_start3A_368 = arith.constant 0 : i32
        %dma_start3A_369 = tpu.memref_slice %arg5[%dma_start3A_357, %dma_start3A_367, %dma_start3A_368] : memref<2x8x128xi32, #tpu.memory_space<vmem>> -> memref<1x8x128xi32, #tpu.memory_space<vmem>>
        %dma_start3A_370 = tpu.memref_squeeze %dma_start3A_369 : memref<1x8x128xi32, #tpu.memory_space<vmem>> -> memref<8x128xi32, #tpu.memory_space<vmem>>
        %dma_start3A_371 = arith.constant 0 : i32
        %dma_start3A_372 = tpu.memref_slice %dma_start3A_370[%dma_start3A_358, %dma_start3A_371] : memref<8x128xi32, #tpu.memory_space<vmem>> -> memref<1x128xi32, #tpu.memory_space<vmem>>
        %dma_start3A_373 = tpu.memref_squeeze %dma_start3A_372 : memref<1x128xi32, #tpu.memory_space<vmem>> -> memref<128xi32, #tpu.memory_space<vmem>>
        %dma_start3A_374 = arith.constant 0 : i32
        %dma_start3A_375 = arith.constant 0 : i32
        %dma_start3A_376 = tpu.memref_slice %arg3[%dma_start3A_374, %dma_start3A_375] : memref<200000x128xf32, #tpu.memory_space<hbm>> -> memref<200000x128xf32, #tpu.memory_space<hbm>>
        tpu.enqueue_indirect_dma source(%dma_start3A_376 : memref<200000x128xf32, #tpu.memory_space<hbm>>) target(%dma_start3A_366 : memref<128x128xf32, #tpu.memory_space<vmem>>) offsets(%dma_start3A_373 : memref<128xi32, #tpu.memory_space<vmem>>) semaphore(%arg9 : memref<!tpu.dma_semaphore, #tpu.memory_space<semaphore_mem>>)
        %dma_wait3A_377 = arith.constant 1 : i32
        %dma_wait3A_378 = arith.constant 0 : i32
        %dma_wait3A_379 = arith.constant 0 : i32
        %dma_wait3A_380 = tpu.memref_slice %arg6[%dma_wait3A_377, %dma_wait3A_378, %dma_wait3A_379] : memref<2x256x128xf32, #tpu.memory_space<vmem>> -> memref<1x256x128xf32, #tpu.memory_space<vmem>>
        %dma_wait3A_381 = tpu.memref_squeeze %dma_wait3A_380 : memref<1x256x128xf32, #tpu.memory_space<vmem>> -> memref<256x128xf32, #tpu.memory_space<vmem>>
        %dma_wait3A_382 = arith.constant 0 : i32
        %dma_wait3A_383 = arith.constant 0 : i32
        %dma_wait3A_384 = tpu.memref_slice %dma_wait3A_381[%dma_wait3A_382, %dma_wait3A_383] : memref<256x128xf32, #tpu.memory_space<vmem>> -> memref<128x128xf32, #tpu.memory_space<vmem>>
        %dma_wait3A_385 = arith.constant 0 : i32
        %dma_wait3A_386 = arith.constant 0 : i32
        %dma_wait3A_387 = tpu.memref_slice %arg3[%dma_wait3A_385, %dma_wait3A_386] : memref<200000x128xf32, #tpu.memory_space<hbm>> -> memref<128x128xf32, #tpu.memory_space<hbm>>
        %dma_wait3A_388 = arith.constant 0 : i32
        %dma_wait3A_389 = arith.constant 0 : i32
        %dma_wait3A_390 = tpu.memref_slice %arg6[%dma_wait3A_377, %dma_wait3A_388, %dma_wait3A_389] : memref<2x256x128xf32, #tpu.memory_space<vmem>> -> memref<1x256x128xf32, #tpu.memory_space<vmem>>
        %dma_wait3A_391 = tpu.memref_squeeze %dma_wait3A_390 : memref<1x256x128xf32, #tpu.memory_space<vmem>> -> memref<256x128xf32, #tpu.memory_space<vmem>>
        %dma_wait3A_392 = arith.constant 0 : i32
        %dma_wait3A_393 = arith.constant 0 : i32
        %dma_wait3A_394 = tpu.memref_slice %dma_wait3A_391[%dma_wait3A_392, %dma_wait3A_393] : memref<256x128xf32, #tpu.memory_space<vmem>> -> memref<128x128xf32, #tpu.memory_space<vmem>>
        %dma_wait3A_395 = arith.constant 0 : i32
        %dma_wait3A_396 = arith.constant 0 : i32
        %dma_wait3A_397 = tpu.memref_slice %arg3[%dma_wait3A_395, %dma_wait3A_396] : memref<200000x128xf32, #tpu.memory_space<hbm>> -> memref<128x128xf32, #tpu.memory_space<hbm>>
        tpu.wait_dma2 semaphore(%arg10 : memref<!tpu.dma_semaphore, #tpu.memory_space<semaphore_mem>>) src(%dma_wait3A_397 : memref<128x128xf32, #tpu.memory_space<hbm>>) dst(%dma_wait3A_394 : memref<128x128xf32, #tpu.memory_space<vmem>>)
        %dma_wait3A_398 = arith.constant 1 : i32
        %dma_wait3A_399 = arith.constant 0 : i32
        %dma_wait3A_400 = arith.constant 0 : i32
        %dma_wait3A_401 = tpu.memref_slice %arg6[%dma_wait3A_398, %dma_wait3A_399, %dma_wait3A_400] : memref<2x256x128xf32, #tpu.memory_space<vmem>> -> memref<1x256x128xf32, #tpu.memory_space<vmem>>
        %dma_wait3A_402 = tpu.memref_squeeze %dma_wait3A_401 : memref<1x256x128xf32, #tpu.memory_space<vmem>> -> memref<256x128xf32, #tpu.memory_space<vmem>>
        %dma_wait3A_403 = arith.constant 128 : i32
        %dma_wait3A_404 = arith.constant 0 : i32
        %dma_wait3A_405 = tpu.memref_slice %dma_wait3A_402[%dma_wait3A_403, %dma_wait3A_404] : memref<256x128xf32, #tpu.memory_space<vmem>> -> memref<128x128xf32, #tpu.memory_space<vmem>>
        %dma_wait3A_406 = arith.constant 0 : i32
        %dma_wait3A_407 = arith.constant 0 : i32
        %dma_wait3A_408 = tpu.memref_slice %arg3[%dma_wait3A_406, %dma_wait3A_407] : memref<200000x128xf32, #tpu.memory_space<hbm>> -> memref<128x128xf32, #tpu.memory_space<hbm>>
        %dma_wait3A_409 = arith.constant 0 : i32
        %dma_wait3A_410 = arith.constant 0 : i32
        %dma_wait3A_411 = tpu.memref_slice %arg6[%dma_wait3A_398, %dma_wait3A_409, %dma_wait3A_410] : memref<2x256x128xf32, #tpu.memory_space<vmem>> -> memref<1x256x128xf32, #tpu.memory_space<vmem>>
        %dma_wait3A_412 = tpu.memref_squeeze %dma_wait3A_411 : memref<1x256x128xf32, #tpu.memory_space<vmem>> -> memref<256x128xf32, #tpu.memory_space<vmem>>
        %dma_wait3A_413 = arith.constant 128 : i32
        %dma_wait3A_414 = arith.constant 0 : i32
        %dma_wait3A_415 = tpu.memref_slice %dma_wait3A_412[%dma_wait3A_413, %dma_wait3A_414] : memref<256x128xf32, #tpu.memory_space<vmem>> -> memref<128x128xf32, #tpu.memory_space<vmem>>
        %dma_wait3A_416 = arith.constant 0 : i32
        %dma_wait3A_417 = arith.constant 0 : i32
        %dma_wait3A_418 = tpu.memref_slice %arg3[%dma_wait3A_416, %dma_wait3A_417] : memref<200000x128xf32, #tpu.memory_space<hbm>> -> memref<128x128xf32, #tpu.memory_space<hbm>>
        tpu.wait_dma2 semaphore(%arg10 : memref<!tpu.dma_semaphore, #tpu.memory_space<semaphore_mem>>) src(%dma_wait3A_418 : memref<128x128xf32, #tpu.memory_space<hbm>>) dst(%dma_wait3A_415 : memref<128x128xf32, #tpu.memory_space<vmem>>)
        %mul3A_419 = arith.constant 4 : i32
        %mul3A_420 = arith.muli %add3A_135, %mul3A_419 : i32
        %add3A_421 = arith.constant 2 : i32
        %add3A_422 = arith.addi %mul3A_420, %add3A_421 : i32
        %sub3A_423 = arith.constant 1 : i32
        %sub3A_424 = arith.subi %add3A_422, %sub3A_423 : i32
        %mul3A_425 = arith.constant 256 : i32
        %mul3A_426 = arith.muli %sub3A_424, %mul3A_425 : i32
        %add3A_427 = arith.addi %mul3A_2, %mul3A_426 : i32
        %multiple_of3A_428 = tpu.assume_multiple %add3A_427, 256 : i32
        %dma_start3A_429 = arith.constant 1 : i32
        %dma_start3A_430 = arith.constant 0 : i32
        %dma_start3A_431 = arith.constant 0 : i32
        %dma_start3A_432 = tpu.memref_slice %arg6[%dma_start3A_429, %dma_start3A_430, %dma_start3A_431] : memref<2x256x128xf32, #tpu.memory_space<vmem>> -> memref<1x256x128xf32, #tpu.memory_space<vmem>>
        %dma_start3A_433 = tpu.memref_squeeze %dma_start3A_432 : memref<1x256x128xf32, #tpu.memory_space<vmem>> -> memref<256x128xf32, #tpu.memory_space<vmem>>
        %dma_start3A_434 = arith.constant 0 : i32
        %dma_start3A_435 = tpu.memref_slice %arg4[%multiple_of3A_428, %dma_start3A_434] : memref<819200x128xf32, #tpu.memory_space<hbm>> -> memref<256x128xf32, #tpu.memory_space<hbm>>
        %dma_start3A_436 = arith.constant 0 : i32
        %dma_start3A_437 = tpu.memref_slice %arg4[%multiple_of3A_428, %dma_start3A_436] : memref<819200x128xf32, #tpu.memory_space<hbm>> -> memref<256x128xf32, #tpu.memory_space<hbm>>
        %dma_start3A_438 = arith.constant 0 : i32
        %dma_start3A_439 = arith.constant 0 : i32
        %dma_start3A_440 = tpu.memref_slice %arg6[%dma_start3A_429, %dma_start3A_438, %dma_start3A_439] : memref<2x256x128xf32, #tpu.memory_space<vmem>> -> memref<1x256x128xf32, #tpu.memory_space<vmem>>
        %dma_start3A_441 = tpu.memref_squeeze %dma_start3A_440 : memref<1x256x128xf32, #tpu.memory_space<vmem>> -> memref<256x128xf32, #tpu.memory_space<vmem>>
        tpu.enqueue_dma source(%dma_start3A_441 : memref<256x128xf32, #tpu.memory_space<vmem>>) target(%dma_start3A_437 : memref<256x128xf32, #tpu.memory_space<hbm>>) target_semaphore(%arg12 : memref<!tpu.dma_semaphore, #tpu.memory_space<semaphore_mem>>)
        %dma_wait3A_442 = arith.constant 1 : i32
        %dma_wait3A_443 = arith.constant 0 : i32
        %dma_wait3A_444 = arith.constant 0 : i32
        %dma_wait3A_445 = tpu.memref_slice %arg6[%dma_wait3A_442, %dma_wait3A_443, %dma_wait3A_444] : memref<2x256x128xf32, #tpu.memory_space<vmem>> -> memref<1x256x128xf32, #tpu.memory_space<vmem>>
        %dma_wait3A_446 = tpu.memref_squeeze %dma_wait3A_445 : memref<1x256x128xf32, #tpu.memory_space<vmem>> -> memref<256x128xf32, #tpu.memory_space<vmem>>
        %dma_wait3A_447 = arith.constant 0 : i32
        %dma_wait3A_448 = arith.constant 0 : i32
        %dma_wait3A_449 = tpu.memref_slice %arg4[%dma_wait3A_447, %dma_wait3A_448] : memref<819200x128xf32, #tpu.memory_space<hbm>> -> memref<256x128xf32, #tpu.memory_space<hbm>>
        %dma_wait3A_450 = arith.constant 0 : i32
        %dma_wait3A_451 = arith.constant 0 : i32
        %dma_wait3A_452 = tpu.memref_slice %arg4[%dma_wait3A_450, %dma_wait3A_451] : memref<819200x128xf32, #tpu.memory_space<hbm>> -> memref<256x128xf32, #tpu.memory_space<hbm>>
        %dma_wait3A_453 = arith.constant 0 : i32
        %dma_wait3A_454 = arith.constant 0 : i32
        %dma_wait3A_455 = tpu.memref_slice %arg6[%dma_wait3A_442, %dma_wait3A_453, %dma_wait3A_454] : memref<2x256x128xf32, #tpu.memory_space<vmem>> -> memref<1x256x128xf32, #tpu.memory_space<vmem>>
        %dma_wait3A_456 = tpu.memref_squeeze %dma_wait3A_455 : memref<1x256x128xf32, #tpu.memory_space<vmem>> -> memref<256x128xf32, #tpu.memory_space<vmem>>
        tpu.wait_dma2 semaphore(%arg12 : memref<!tpu.dma_semaphore, #tpu.memory_space<semaphore_mem>>) src(%dma_wait3A_456 : memref<256x128xf32, #tpu.memory_space<vmem>>) dst(%dma_wait3A_452 : memref<256x128xf32, #tpu.memory_space<hbm>>)
        %dma_start3A_457 = arith.constant 1 : i32
        %dma_start3A_458 = arith.constant 6 : i32
        %dma_start3A_459 = arith.constant 1 : i32
        %dma_start3A_460 = arith.constant 0 : i32
        %dma_start3A_461 = arith.constant 0 : i32
        %dma_start3A_462 = tpu.memref_slice %arg6[%dma_start3A_459, %dma_start3A_460, %dma_start3A_461] : memref<2x256x128xf32, #tpu.memory_space<vmem>> -> memref<1x256x128xf32, #tpu.memory_space<vmem>>
        %dma_start3A_463 = tpu.memref_squeeze %dma_start3A_462 : memref<1x256x128xf32, #tpu.memory_space<vmem>> -> memref<256x128xf32, #tpu.memory_space<vmem>>
        %dma_start3A_464 = arith.constant 0 : i32
        %dma_start3A_465 = arith.constant 0 : i32
        %dma_start3A_466 = tpu.memref_slice %dma_start3A_463[%dma_start3A_464, %dma_start3A_465] : memref<256x128xf32, #tpu.memory_space<vmem>> -> memref<128x128xf32, #tpu.memory_space<vmem>>
        %dma_start3A_467 = arith.constant 0 : i32
        %dma_start3A_468 = arith.constant 0 : i32
        %dma_start3A_469 = tpu.memref_slice %arg5[%dma_start3A_457, %dma_start3A_467, %dma_start3A_468] : memref<2x8x128xi32, #tpu.memory_space<vmem>> -> memref<1x8x128xi32, #tpu.memory_space<vmem>>
        %dma_start3A_470 = tpu.memref_squeeze %dma_start3A_469 : memref<1x8x128xi32, #tpu.memory_space<vmem>> -> memref<8x128xi32, #tpu.memory_space<vmem>>
        %dma_start3A_471 = arith.constant 0 : i32
        %dma_start3A_472 = tpu.memref_slice %dma_start3A_470[%dma_start3A_458, %dma_start3A_471] : memref<8x128xi32, #tpu.memory_space<vmem>> -> memref<1x128xi32, #tpu.memory_space<vmem>>
        %dma_start3A_473 = tpu.memref_squeeze %dma_start3A_472 : memref<1x128xi32, #tpu.memory_space<vmem>> -> memref<128xi32, #tpu.memory_space<vmem>>
        %dma_start3A_474 = arith.constant 0 : i32
        %dma_start3A_475 = arith.constant 0 : i32
        %dma_start3A_476 = tpu.memref_slice %arg3[%dma_start3A_474, %dma_start3A_475] : memref<200000x128xf32, #tpu.memory_space<hbm>> -> memref<200000x128xf32, #tpu.memory_space<hbm>>
        tpu.enqueue_indirect_dma source(%dma_start3A_476 : memref<200000x128xf32, #tpu.memory_space<hbm>>) target(%dma_start3A_466 : memref<128x128xf32, #tpu.memory_space<vmem>>) offsets(%dma_start3A_473 : memref<128xi32, #tpu.memory_space<vmem>>) semaphore(%arg10 : memref<!tpu.dma_semaphore, #tpu.memory_space<semaphore_mem>>)
        %dma_start3A_477 = arith.constant 1 : i32
        %dma_start3A_478 = arith.constant 7 : i32
        %dma_start3A_479 = arith.constant 1 : i32
        %dma_start3A_480 = arith.constant 0 : i32
        %dma_start3A_481 = arith.constant 0 : i32
        %dma_start3A_482 = tpu.memref_slice %arg6[%dma_start3A_479, %dma_start3A_480, %dma_start3A_481] : memref<2x256x128xf32, #tpu.memory_space<vmem>> -> memref<1x256x128xf32, #tpu.memory_space<vmem>>
        %dma_start3A_483 = tpu.memref_squeeze %dma_start3A_482 : memref<1x256x128xf32, #tpu.memory_space<vmem>> -> memref<256x128xf32, #tpu.memory_space<vmem>>
        %dma_start3A_484 = arith.constant 128 : i32
        %dma_start3A_485 = arith.constant 0 : i32
        %dma_start3A_486 = tpu.memref_slice %dma_start3A_483[%dma_start3A_484, %dma_start3A_485] : memref<256x128xf32, #tpu.memory_space<vmem>> -> memref<128x128xf32, #tpu.memory_space<vmem>>
        %dma_start3A_487 = arith.constant 0 : i32
        %dma_start3A_488 = arith.constant 0 : i32
        %dma_start3A_489 = tpu.memref_slice %arg5[%dma_start3A_477, %dma_start3A_487, %dma_start3A_488] : memref<2x8x128xi32, #tpu.memory_space<vmem>> -> memref<1x8x128xi32, #tpu.memory_space<vmem>>
        %dma_start3A_490 = tpu.memref_squeeze %dma_start3A_489 : memref<1x8x128xi32, #tpu.memory_space<vmem>> -> memref<8x128xi32, #tpu.memory_space<vmem>>
        %dma_start3A_491 = arith.constant 0 : i32
        %dma_start3A_492 = tpu.memref_slice %dma_start3A_490[%dma_start3A_478, %dma_start3A_491] : memref<8x128xi32, #tpu.memory_space<vmem>> -> memref<1x128xi32, #tpu.memory_space<vmem>>
        %dma_start3A_493 = tpu.memref_squeeze %dma_start3A_492 : memref<1x128xi32, #tpu.memory_space<vmem>> -> memref<128xi32, #tpu.memory_space<vmem>>
        %dma_start3A_494 = arith.constant 0 : i32
        %dma_start3A_495 = arith.constant 0 : i32
        %dma_start3A_496 = tpu.memref_slice %arg3[%dma_start3A_494, %dma_start3A_495] : memref<200000x128xf32, #tpu.memory_space<hbm>> -> memref<200000x128xf32, #tpu.memory_space<hbm>>
        tpu.enqueue_indirect_dma source(%dma_start3A_496 : memref<200000x128xf32, #tpu.memory_space<hbm>>) target(%dma_start3A_486 : memref<128x128xf32, #tpu.memory_space<vmem>>) offsets(%dma_start3A_493 : memref<128xi32, #tpu.memory_space<vmem>>) semaphore(%arg10 : memref<!tpu.dma_semaphore, #tpu.memory_space<semaphore_mem>>)
        %dma_wait3A_497 = arith.constant 0 : i32
        %dma_wait3A_498 = arith.constant 0 : i32
        %dma_wait3A_499 = arith.constant 0 : i32
        %dma_wait3A_500 = tpu.memref_slice %arg6[%dma_wait3A_497, %dma_wait3A_498, %dma_wait3A_499] : memref<2x256x128xf32, #tpu.memory_space<vmem>> -> memref<1x256x128xf32, #tpu.memory_space<vmem>>
        %dma_wait3A_501 = tpu.memref_squeeze %dma_wait3A_500 : memref<1x256x128xf32, #tpu.memory_space<vmem>> -> memref<256x128xf32, #tpu.memory_space<vmem>>
        %dma_wait3A_502 = arith.constant 0 : i32
        %dma_wait3A_503 = arith.constant 0 : i32
        %dma_wait3A_504 = tpu.memref_slice %dma_wait3A_501[%dma_wait3A_502, %dma_wait3A_503] : memref<256x128xf32, #tpu.memory_space<vmem>> -> memref<128x128xf32, #tpu.memory_space<vmem>>
        %dma_wait3A_505 = arith.constant 0 : i32
        %dma_wait3A_506 = arith.constant 0 : i32
        %dma_wait3A_507 = tpu.memref_slice %arg3[%dma_wait3A_505, %dma_wait3A_506] : memref<200000x128xf32, #tpu.memory_space<hbm>> -> memref<128x128xf32, #tpu.memory_space<hbm>>
        %dma_wait3A_508 = arith.constant 0 : i32
        %dma_wait3A_509 = arith.constant 0 : i32
        %dma_wait3A_510 = tpu.memref_slice %arg6[%dma_wait3A_497, %dma_wait3A_508, %dma_wait3A_509] : memref<2x256x128xf32, #tpu.memory_space<vmem>> -> memref<1x256x128xf32, #tpu.memory_space<vmem>>
        %dma_wait3A_511 = tpu.memref_squeeze %dma_wait3A_510 : memref<1x256x128xf32, #tpu.memory_space<vmem>> -> memref<256x128xf32, #tpu.memory_space<vmem>>
        %dma_wait3A_512 = arith.constant 0 : i32
        %dma_wait3A_513 = arith.constant 0 : i32
        %dma_wait3A_514 = tpu.memref_slice %dma_wait3A_511[%dma_wait3A_512, %dma_wait3A_513] : memref<256x128xf32, #tpu.memory_space<vmem>> -> memref<128x128xf32, #tpu.memory_space<vmem>>
        %dma_wait3A_515 = arith.constant 0 : i32
        %dma_wait3A_516 = arith.constant 0 : i32
        %dma_wait3A_517 = tpu.memref_slice %arg3[%dma_wait3A_515, %dma_wait3A_516] : memref<200000x128xf32, #tpu.memory_space<hbm>> -> memref<128x128xf32, #tpu.memory_space<hbm>>
        tpu.wait_dma2 semaphore(%arg9 : memref<!tpu.dma_semaphore, #tpu.memory_space<semaphore_mem>>) src(%dma_wait3A_517 : memref<128x128xf32, #tpu.memory_space<hbm>>) dst(%dma_wait3A_514 : memref<128x128xf32, #tpu.memory_space<vmem>>)
        %dma_wait3A_518 = arith.constant 0 : i32
        %dma_wait3A_519 = arith.constant 0 : i32
        %dma_wait3A_520 = arith.constant 0 : i32
        %dma_wait3A_521 = tpu.memref_slice %arg6[%dma_wait3A_518, %dma_wait3A_519, %dma_wait3A_520] : memref<2x256x128xf32, #tpu.memory_space<vmem>> -> memref<1x256x128xf32, #tpu.memory_space<vmem>>
        %dma_wait3A_522 = tpu.memref_squeeze %dma_wait3A_521 : memref<1x256x128xf32, #tpu.memory_space<vmem>> -> memref<256x128xf32, #tpu.memory_space<vmem>>
        %dma_wait3A_523 = arith.constant 128 : i32
        %dma_wait3A_524 = arith.constant 0 : i32
        %dma_wait3A_525 = tpu.memref_slice %dma_wait3A_522[%dma_wait3A_523, %dma_wait3A_524] : memref<256x128xf32, #tpu.memory_space<vmem>> -> memref<128x128xf32, #tpu.memory_space<vmem>>
        %dma_wait3A_526 = arith.constant 0 : i32
        %dma_wait3A_527 = arith.constant 0 : i32
        %dma_wait3A_528 = tpu.memref_slice %arg3[%dma_wait3A_526, %dma_wait3A_527] : memref<200000x128xf32, #tpu.memory_space<hbm>> -> memref<128x128xf32, #tpu.memory_space<hbm>>
        %dma_wait3A_529 = arith.constant 0 : i32
        %dma_wait3A_530 = arith.constant 0 : i32
        %dma_wait3A_531 = tpu.memref_slice %arg6[%dma_wait3A_518, %dma_wait3A_529, %dma_wait3A_530] : memref<2x256x128xf32, #tpu.memory_space<vmem>> -> memref<1x256x128xf32, #tpu.memory_space<vmem>>
        %dma_wait3A_532 = tpu.memref_squeeze %dma_wait3A_531 : memref<1x256x128xf32, #tpu.memory_space<vmem>> -> memref<256x128xf32, #tpu.memory_space<vmem>>
        %dma_wait3A_533 = arith.constant 128 : i32
        %dma_wait3A_534 = arith.constant 0 : i32
        %dma_wait3A_535 = tpu.memref_slice %dma_wait3A_532[%dma_wait3A_533, %dma_wait3A_534] : memref<256x128xf32, #tpu.memory_space<vmem>> -> memref<128x128xf32, #tpu.memory_space<vmem>>
        %dma_wait3A_536 = arith.constant 0 : i32
        %dma_wait3A_537 = arith.constant 0 : i32
        %dma_wait3A_538 = tpu.memref_slice %arg3[%dma_wait3A_536, %dma_wait3A_537] : memref<200000x128xf32, #tpu.memory_space<hbm>> -> memref<128x128xf32, #tpu.memory_space<hbm>>
        tpu.wait_dma2 semaphore(%arg9 : memref<!tpu.dma_semaphore, #tpu.memory_space<semaphore_mem>>) src(%dma_wait3A_538 : memref<128x128xf32, #tpu.memory_space<hbm>>) dst(%dma_wait3A_535 : memref<128x128xf32, #tpu.memory_space<vmem>>)
        %mul3A_539 = arith.constant 4 : i32
        %mul3A_540 = arith.muli %add3A_135, %mul3A_539 : i32
        %add3A_541 = arith.constant 3 : i32
        %add3A_542 = arith.addi %mul3A_540, %add3A_541 : i32
        %sub3A_543 = arith.constant 1 : i32
        %sub3A_544 = arith.subi %add3A_542, %sub3A_543 : i32
        %mul3A_545 = arith.constant 256 : i32
        %mul3A_546 = arith.muli %sub3A_544, %mul3A_545 : i32
        %add3A_547 = arith.addi %mul3A_2, %mul3A_546 : i32
        %multiple_of3A_548 = tpu.assume_multiple %add3A_547, 256 : i32
        %dma_start3A_549 = arith.constant 0 : i32
        %dma_start3A_550 = arith.constant 0 : i32
        %dma_start3A_551 = arith.constant 0 : i32
        %dma_start3A_552 = tpu.memref_slice %arg6[%dma_start3A_549, %dma_start3A_550, %dma_start3A_551] : memref<2x256x128xf32, #tpu.memory_space<vmem>> -> memref<1x256x128xf32, #tpu.memory_space<vmem>>
        %dma_start3A_553 = tpu.memref_squeeze %dma_start3A_552 : memref<1x256x128xf32, #tpu.memory_space<vmem>> -> memref<256x128xf32, #tpu.memory_space<vmem>>
        %dma_start3A_554 = arith.constant 0 : i32
        %dma_start3A_555 = tpu.memref_slice %arg4[%multiple_of3A_548, %dma_start3A_554] : memref<819200x128xf32, #tpu.memory_space<hbm>> -> memref<256x128xf32, #tpu.memory_space<hbm>>
        %dma_start3A_556 = arith.constant 0 : i32
        %dma_start3A_557 = tpu.memref_slice %arg4[%multiple_of3A_548, %dma_start3A_556] : memref<819200x128xf32, #tpu.memory_space<hbm>> -> memref<256x128xf32, #tpu.memory_space<hbm>>
        %dma_start3A_558 = arith.constant 0 : i32
        %dma_start3A_559 = arith.constant 0 : i32
        %dma_start3A_560 = tpu.memref_slice %arg6[%dma_start3A_549, %dma_start3A_558, %dma_start3A_559] : memref<2x256x128xf32, #tpu.memory_space<vmem>> -> memref<1x256x128xf32, #tpu.memory_space<vmem>>
        %dma_start3A_561 = tpu.memref_squeeze %dma_start3A_560 : memref<1x256x128xf32, #tpu.memory_space<vmem>> -> memref<256x128xf32, #tpu.memory_space<vmem>>
        tpu.enqueue_dma source(%dma_start3A_561 : memref<256x128xf32, #tpu.memory_space<vmem>>) target(%dma_start3A_557 : memref<256x128xf32, #tpu.memory_space<hbm>>) target_semaphore(%arg11 : memref<!tpu.dma_semaphore, #tpu.memory_space<semaphore_mem>>)
      } else {
      }
    }
    %scan3A_37 = arith.constant 13 : i32
    %dma_wait3A = arith.constant 1 : i32
    %dma_wait3A_38 = arith.constant 0 : i32
    %dma_wait3A_39 = arith.constant 0 : i32
    %dma_wait3A_40 = tpu.memref_slice %arg6[%dma_wait3A, %dma_wait3A_38, %dma_wait3A_39] : memref<2x256x128xf32, #tpu.memory_space<vmem>> -> memref<1x256x128xf32, #tpu.memory_space<vmem>>
    %dma_wait3A_41 = tpu.memref_squeeze %dma_wait3A_40 : memref<1x256x128xf32, #tpu.memory_space<vmem>> -> memref<256x128xf32, #tpu.memory_space<vmem>>
    %dma_wait3A_42 = arith.constant 0 : i32
    %dma_wait3A_43 = arith.constant 0 : i32
    %dma_wait3A_44 = tpu.memref_slice %dma_wait3A_41[%dma_wait3A_42, %dma_wait3A_43] : memref<256x128xf32, #tpu.memory_space<vmem>> -> memref<128x128xf32, #tpu.memory_space<vmem>>
    %dma_wait3A_45 = arith.constant 0 : i32
    %dma_wait3A_46 = arith.constant 0 : i32
    %dma_wait3A_47 = tpu.memref_slice %arg3[%dma_wait3A_45, %dma_wait3A_46] : memref<200000x128xf32, #tpu.memory_space<hbm>> -> memref<128x128xf32, #tpu.memory_space<hbm>>
    %dma_wait3A_48 = arith.constant 0 : i32
    %dma_wait3A_49 = arith.constant 0 : i32
    %dma_wait3A_50 = tpu.memref_slice %arg6[%dma_wait3A, %dma_wait3A_48, %dma_wait3A_49] : memref<2x256x128xf32, #tpu.memory_space<vmem>> -> memref<1x256x128xf32, #tpu.memory_space<vmem>>
    %dma_wait3A_51 = tpu.memref_squeeze %dma_wait3A_50 : memref<1x256x128xf32, #tpu.memory_space<vmem>> -> memref<256x128xf32, #tpu.memory_space<vmem>>
    %dma_wait3A_52 = arith.constant 0 : i32
    %dma_wait3A_53 = arith.constant 0 : i32
    %dma_wait3A_54 = tpu.memref_slice %dma_wait3A_51[%dma_wait3A_52, %dma_wait3A_53] : memref<256x128xf32, #tpu.memory_space<vmem>> -> memref<128x128xf32, #tpu.memory_space<vmem>>
    %dma_wait3A_55 = arith.constant 0 : i32
    %dma_wait3A_56 = arith.constant 0 : i32
    %dma_wait3A_57 = tpu.memref_slice %arg3[%dma_wait3A_55, %dma_wait3A_56] : memref<200000x128xf32, #tpu.memory_space<hbm>> -> memref<128x128xf32, #tpu.memory_space<hbm>>
    tpu.wait_dma2 semaphore(%arg10 : memref<!tpu.dma_semaphore, #tpu.memory_space<semaphore_mem>>) src(%dma_wait3A_57 : memref<128x128xf32, #tpu.memory_space<hbm>>) dst(%dma_wait3A_54 : memref<128x128xf32, #tpu.memory_space<vmem>>)
    %dma_wait3A_58 = arith.constant 1 : i32
    %dma_wait3A_59 = arith.constant 0 : i32
    %dma_wait3A_60 = arith.constant 0 : i32
    %dma_wait3A_61 = tpu.memref_slice %arg6[%dma_wait3A_58, %dma_wait3A_59, %dma_wait3A_60] : memref<2x256x128xf32, #tpu.memory_space<vmem>> -> memref<1x256x128xf32, #tpu.memory_space<vmem>>
    %dma_wait3A_62 = tpu.memref_squeeze %dma_wait3A_61 : memref<1x256x128xf32, #tpu.memory_space<vmem>> -> memref<256x128xf32, #tpu.memory_space<vmem>>
    %dma_wait3A_63 = arith.constant 128 : i32
    %dma_wait3A_64 = arith.constant 0 : i32
    %dma_wait3A_65 = tpu.memref_slice %dma_wait3A_62[%dma_wait3A_63, %dma_wait3A_64] : memref<256x128xf32, #tpu.memory_space<vmem>> -> memref<128x128xf32, #tpu.memory_space<vmem>>
    %dma_wait3A_66 = arith.constant 0 : i32
    %dma_wait3A_67 = arith.constant 0 : i32
    %dma_wait3A_68 = tpu.memref_slice %arg3[%dma_wait3A_66, %dma_wait3A_67] : memref<200000x128xf32, #tpu.memory_space<hbm>> -> memref<128x128xf32, #tpu.memory_space<hbm>>
    %dma_wait3A_69 = arith.constant 0 : i32
    %dma_wait3A_70 = arith.constant 0 : i32
    %dma_wait3A_71 = tpu.memref_slice %arg6[%dma_wait3A_58, %dma_wait3A_69, %dma_wait3A_70] : memref<2x256x128xf32, #tpu.memory_space<vmem>> -> memref<1x256x128xf32, #tpu.memory_space<vmem>>
    %dma_wait3A_72 = tpu.memref_squeeze %dma_wait3A_71 : memref<1x256x128xf32, #tpu.memory_space<vmem>> -> memref<256x128xf32, #tpu.memory_space<vmem>>
    %dma_wait3A_73 = arith.constant 128 : i32
    %dma_wait3A_74 = arith.constant 0 : i32
    %dma_wait3A_75 = tpu.memref_slice %dma_wait3A_72[%dma_wait3A_73, %dma_wait3A_74] : memref<256x128xf32, #tpu.memory_space<vmem>> -> memref<128x128xf32, #tpu.memory_space<vmem>>
    %dma_wait3A_76 = arith.constant 0 : i32
    %dma_wait3A_77 = arith.constant 0 : i32
    %dma_wait3A_78 = tpu.memref_slice %arg3[%dma_wait3A_76, %dma_wait3A_77] : memref<200000x128xf32, #tpu.memory_space<hbm>> -> memref<128x128xf32, #tpu.memory_space<hbm>>
    tpu.wait_dma2 semaphore(%arg10 : memref<!tpu.dma_semaphore, #tpu.memory_space<semaphore_mem>>) src(%dma_wait3A_78 : memref<128x128xf32, #tpu.memory_space<hbm>>) dst(%dma_wait3A_75 : memref<128x128xf32, #tpu.memory_space<vmem>>)
    %add3A_79 = arith.constant 25344 : i32
    %add3A_80 = arith.addi %mul3A_2, %add3A_79 : i32
    %multiple_of3A_81 = tpu.assume_multiple %add3A_80, 256 : i32
    %dma_start3A_82 = arith.constant 1 : i32
    %dma_start3A_83 = arith.constant 0 : i32
    %dma_start3A_84 = arith.constant 0 : i32
    %dma_start3A_85 = tpu.memref_slice %arg6[%dma_start3A_82, %dma_start3A_83, %dma_start3A_84] : memref<2x256x128xf32, #tpu.memory_space<vmem>> -> memref<1x256x128xf32, #tpu.memory_space<vmem>>
    %dma_start3A_86 = tpu.memref_squeeze %dma_start3A_85 : memref<1x256x128xf32, #tpu.memory_space<vmem>> -> memref<256x128xf32, #tpu.memory_space<vmem>>
    %dma_start3A_87 = arith.constant 0 : i32
    %dma_start3A_88 = tpu.memref_slice %arg4[%multiple_of3A_81, %dma_start3A_87] : memref<819200x128xf32, #tpu.memory_space<hbm>> -> memref<256x128xf32, #tpu.memory_space<hbm>>
    %dma_start3A_89 = arith.constant 0 : i32
    %dma_start3A_90 = tpu.memref_slice %arg4[%multiple_of3A_81, %dma_start3A_89] : memref<819200x128xf32, #tpu.memory_space<hbm>> -> memref<256x128xf32, #tpu.memory_space<hbm>>
    %dma_start3A_91 = arith.constant 0 : i32
    %dma_start3A_92 = arith.constant 0 : i32
    %dma_start3A_93 = tpu.memref_slice %arg6[%dma_start3A_82, %dma_start3A_91, %dma_start3A_92] : memref<2x256x128xf32, #tpu.memory_space<vmem>> -> memref<1x256x128xf32, #tpu.memory_space<vmem>>
    %dma_start3A_94 = tpu.memref_squeeze %dma_start3A_93 : memref<1x256x128xf32, #tpu.memory_space<vmem>> -> memref<256x128xf32, #tpu.memory_space<vmem>>
    tpu.enqueue_dma source(%dma_start3A_94 : memref<256x128xf32, #tpu.memory_space<vmem>>) target(%dma_start3A_90 : memref<256x128xf32, #tpu.memory_space<hbm>>) target_semaphore(%arg12 : memref<!tpu.dma_semaphore, #tpu.memory_space<semaphore_mem>>)
    %dma_wait3A_95 = arith.constant 0 : i32
    %dma_wait3A_96 = arith.constant 0 : i32
    %dma_wait3A_97 = arith.constant 0 : i32
    %dma_wait3A_98 = tpu.memref_slice %arg6[%dma_wait3A_95, %dma_wait3A_96, %dma_wait3A_97] : memref<2x256x128xf32, #tpu.memory_space<vmem>> -> memref<1x256x128xf32, #tpu.memory_space<vmem>>
    %dma_wait3A_99 = tpu.memref_squeeze %dma_wait3A_98 : memref<1x256x128xf32, #tpu.memory_space<vmem>> -> memref<256x128xf32, #tpu.memory_space<vmem>>
    %dma_wait3A_100 = arith.constant 0 : i32
    %dma_wait3A_101 = arith.constant 0 : i32
    %dma_wait3A_102 = tpu.memref_slice %arg4[%dma_wait3A_100, %dma_wait3A_101] : memref<819200x128xf32, #tpu.memory_space<hbm>> -> memref<256x128xf32, #tpu.memory_space<hbm>>
    %dma_wait3A_103 = arith.constant 0 : i32
    %dma_wait3A_104 = arith.constant 0 : i32
    %dma_wait3A_105 = tpu.memref_slice %arg4[%dma_wait3A_103, %dma_wait3A_104] : memref<819200x128xf32, #tpu.memory_space<hbm>> -> memref<256x128xf32, #tpu.memory_space<hbm>>
    %dma_wait3A_106 = arith.constant 0 : i32
    %dma_wait3A_107 = arith.constant 0 : i32
    %dma_wait3A_108 = tpu.memref_slice %arg6[%dma_wait3A_95, %dma_wait3A_106, %dma_wait3A_107] : memref<2x256x128xf32, #tpu.memory_space<vmem>> -> memref<1x256x128xf32, #tpu.memory_space<vmem>>
    %dma_wait3A_109 = tpu.memref_squeeze %dma_wait3A_108 : memref<1x256x128xf32, #tpu.memory_space<vmem>> -> memref<256x128xf32, #tpu.memory_space<vmem>>
    tpu.wait_dma2 semaphore(%arg11 : memref<!tpu.dma_semaphore, #tpu.memory_space<semaphore_mem>>) src(%dma_wait3A_109 : memref<256x128xf32, #tpu.memory_space<vmem>>) dst(%dma_wait3A_105 : memref<256x128xf32, #tpu.memory_space<hbm>>)
    %dma_wait3A_110 = arith.constant 1 : i32
    %dma_wait3A_111 = arith.constant 0 : i32
    %dma_wait3A_112 = arith.constant 0 : i32
    %dma_wait3A_113 = tpu.memref_slice %arg6[%dma_wait3A_110, %dma_wait3A_111, %dma_wait3A_112] : memref<2x256x128xf32, #tpu.memory_space<vmem>> -> memref<1x256x128xf32, #tpu.memory_space<vmem>>
    %dma_wait3A_114 = tpu.memref_squeeze %dma_wait3A_113 : memref<1x256x128xf32, #tpu.memory_space<vmem>> -> memref<256x128xf32, #tpu.memory_space<vmem>>
    %dma_wait3A_115 = arith.constant 0 : i32
    %dma_wait3A_116 = arith.constant 0 : i32
    %dma_wait3A_117 = tpu.memref_slice %arg4[%dma_wait3A_115, %dma_wait3A_116] : memref<819200x128xf32, #tpu.memory_space<hbm>> -> memref<256x128xf32, #tpu.memory_space<hbm>>
    %dma_wait3A_118 = arith.constant 0 : i32
    %dma_wait3A_119 = arith.constant 0 : i32
    %dma_wait3A_120 = tpu.memref_slice %arg4[%dma_wait3A_118, %dma_wait3A_119] : memref<819200x128xf32, #tpu.memory_space<hbm>> -> memref<256x128xf32, #tpu.memory_space<hbm>>
    %dma_wait3A_121 = arith.constant 0 : i32
    %dma_wait3A_122 = arith.constant 0 : i32
    %dma_wait3A_123 = tpu.memref_slice %arg6[%dma_wait3A_110, %dma_wait3A_121, %dma_wait3A_122] : memref<2x256x128xf32, #tpu.memory_space<vmem>> -> memref<1x256x128xf32, #tpu.memory_space<vmem>>
    %dma_wait3A_124 = tpu.memref_squeeze %dma_wait3A_123 : memref<1x256x128xf32, #tpu.memory_space<vmem>> -> memref<256x128xf32, #tpu.memory_space<vmem>>
    tpu.wait_dma2 semaphore(%arg12 : memref<!tpu.dma_semaphore, #tpu.memory_space<semaphore_mem>>) src(%dma_wait3A_124 : memref<256x128xf32, #tpu.memory_space<vmem>>) dst(%dma_wait3A_120 : memref<256x128xf32, #tpu.memory_space<hbm>>)
    return
  }
}

</mosaic_0001>

<sc_bundles>
// kernel: kernel.3.cloned.1.call-start
scs
__scs_entry_jumppad:
0x0: {  	(pc) =	sbr.rel $0x88, $3  }
0x1: {  	(tag) =	ssettag $0x0;
	lr =	simm.s32 $0x1  }
0x2: {  	[smem:$0x3F9E] =	sst lr;
	_ =	strace $0xD0000000  }
0x3: {  	_ = 	snop  }
0x4: {  	_ = 	snop  }
0x5: {  	_ = 	snop  }
0x6: {  	_ = 	snop  }
0x7: {  	_ = 	snop  }
__scs_overlays_trampoline_lowered:
0x8: {  	[smem:$0x3FAD] =	sst s0  }
0x9: {  	[smem:$0x3FAE] =	sst s1  }
0xa: {  	[smem:$0x3FAF] =	sst s2  }
0xb: {  	[smem:$0x3FB0] =	sst s3  }
0xc: {  	[smem:$0x3FB1] =	sst s4  }
0xd: {  	[smem:$0x3FB2] =	sst s5  }
0xe: {  	[smem:$0x3FB3] =	sst s6  }
0xf: {  	[smem:$0x3FB4] =	sst s7  }
0x10: {  	[smem:$0x3FB5] =	sst s8  }
0x11: {  	[smem:$0x3FB6] =	sst s9;
	s0 =	simm.s32 @!p0 $0x0  }
0x12: {  	s1 =	sld [smem:$0x3F9C];
	s0 =	simm.s32 @p0 $0x1  }
0x13: {  	[smem:$0x3FB7] =	sst s0;
	s0 =	simm.s32 @!p1 $0x0  }
0x14: {  	s2 =	sld [smem:$0x3F9B];
	s0 =	simm.s32 @p1 $0x1  }
0x15: {  	[smem:$0x3FB8] =	sst s0;
	s0 =	simm.s32 @!p2 $0x0  }
0x16: {  	s3 =	sld [smem:$0x3FDB];
	s0 =	simm.s32 @p2 $0x1  }
0x17: {  	s4 =	simm.s32 $0x1BF5;
	[smem:$0x3FBA] =	sst s0  }
0x18: {  	s0 =	sld [smem:$0x3F9D];
	_ =	swait.ge [sflag:s4], $0x0  }
0x19: {  	s7 =	sld [smem:$0x3F9E]  }
0x1a: {  	s8 =	sadd.s32 $0xFFFFE003, lr  }
0x1b: {  	s9 =	sadd.s32 $0xFFFFFEF7, lr;
	s5 =	simm.s32 $0xFFFFFFFF;
	p2 =	slt.u32 s8, $0xFFFFF086  }
0x1c: {  	p1 =	slt.u32 s9, $0xF7A;
	s5 =	simm.s32 @!p2 $0x0  }
0x1d: {  	s5 =	simm.s32 @p1 $0x1;
	p0 =	seq.s32 s7, s2  }
0x1e: {  	s7 =	smul.u32 @!p0 $0xF7A, s2;
	p2 =	seq.s32 @!p0 s5, $0x0  }
0x1f: {  	s9 =	smul.u32 $0xF7A, s1;
	s8 =	simm.s32 @!p0 $0x1BF5;
	p2 =	por !p2, p0  }
0x20: {  	[sflag:s8] =	ssyncset.s32 @!p0 $0xFFFFF086;
	s6 =	sadd.s32 @!p0 s3, s7;
	s7 =	simm.s32 @!p0 $0x108  }
0x21: {  	s3 =	sadd.s32 s3, s9;
	s6 =	sadd.s32 @!p0 $0x88, s6;
	s7 =	simm.s32 @p2 $0x1082  }
0x22: {  	[simem:s7], [sflag:s8] =	dma.local @!p0 [hbm:s6], $0xF7A  }
0x23: {  	s9 =	sor.u32 $0xD0000000, s2;
	s6 =	simm.s32 $0x108;
	_ =	swait.ge @!p0 [sflag:s8], $0x0  }
0x24: {  	s3 =	sadd.s32 $0x88, s3;
	s6 =	simm.s32 @!p1 $0x1082;
	[sflag:s4] =	ssyncset.s32 $0xFFFFF086  }
0x25: {  	[simem:s6], [sflag:s4] =	dma.local [hbm:s3], $0xF7A  }
0x26: {  	[smem:$0x3F9E] =	sst s1;
	(tag) =	ssettag s2;
	_ =	strace s9  }
0x27: {  	s1 =	sld [smem:$0x3FAE]  }
0x28: {  	s2 =	sld [smem:$0x3FAF]  }
0x29: {  	s4 =	sld [smem:$0x3FB1]  }
0x2a: {  	p0 =	seq.s32 s5, $0x0;
	s5 =	sld [smem:$0x3FB2]  }
0x2b: {  	s6 =	sld [smem:$0x3FB3]  }
0x2c: {  	s7 =	sld [smem:$0x3FB4]  }
0x2d: {  	s3 =	simm.s32 $0x108;
	s8 =	sld [smem:$0x3FB5]  }
0x2e: {  	s3 =	simm.s32 @!p0 $0x1082;
	s9 =	sld [smem:$0x3FB6]  }
0x2f: {  	lr =	sadd.s32 s0, s3;
	s0 =	sld [smem:$0x3FAD]  }
0x30: {  	s3 =	sld [smem:$0x3FB0]  }
0x31: {  	[smem:$0x3FB9] =	sst s10  }
0x32: {  	s10 =	sld [smem:$0x3FB7];
	_ =	sdelay $0x3  }
0x33: {  	p0 =	seq.s32 s10, $0x1;
	s10 =	sld [smem:$0x3FB9];
	_ =	sdelay $0x3  }
0x34: {  	[smem:$0x3FB9] =	sst s10  }
0x35: {  	s10 =	sld [smem:$0x3FB8];
	_ =	sdelay $0x3  }
0x36: {  	p1 =	seq.s32 s10, $0x1;
	s10 =	sld [smem:$0x3FB9];
	_ =	sdelay $0x3  }
0x37: {  	[smem:$0x3FB9] =	sst s10  }
0x38: {  	s10 =	sld [smem:$0x3FBA]  }
0x39: {  	_ = 	snop;
	(pc) =	sbr.ind lr, $3  }
0x3a: {  	_ = 	snop  }
0x3b: {  	_ = 	snop  }
0x3c: {  	p2 =	seq.s32 s10, $0x1;
	s10 =	sld [smem:$0x3FB9]  }
0x3d: {  	_ =	shalt  }
0x3e: {  	_ =	shalt  }
0x3f: {  	_ =	shalt  }
0x40: {  	_ =	shalt  }
0x41: {  	_ =	shalt  }
0x42: {  	_ =	shalt  }
0x43: {  	_ =	shalt  }
0x44: {  	_ =	shalt  }
0x45: {  	_ =	shalt  }
0x46: {  	_ =	shalt  }
0x47: {  	_ =	shalt  }
0x48: {  	_ =	shalt  }
0x49: {  	_ =	shalt  }
0x4a: {  	_ =	shalt  }
0x4b: {  	_ =	shalt  }
0x4c: {  	_ =	shalt  }
0x4d: {  	_ =	shalt  }
0x4e: {  	_ =	shalt  }
0x4f: {  	_ =	shalt  }
0x50: {  	_ =	shalt  }
0x51: {  	_ =	shalt  }
0x52: {  	_ =	shalt  }
0x53: {  	_ =	shalt  }
0x54: {  	_ =	shalt  }
0x55: {  	_ =	shalt  }
0x56: {  	_ =	shalt  }
0x57: {  	_ =	shalt  }
0x58: {  	_ =	shalt  }
0x59: {  	_ =	shalt  }
0x5a: {  	_ =	shalt  }
0x5b: {  	_ =	shalt  }
0x5c: {  	_ =	shalt  }
0x5d: {  	_ =	shalt  }
0x5e: {  	_ =	shalt  }
0x5f: {  	_ =	shalt  }
0x60: {  	_ =	shalt  }
0x61: {  	_ =	shalt  }
0x62: {  	_ =	shalt  }
0x63: {  	_ =	shalt  }
0x64: {  	_ =	shalt  }
0x65: {  	_ =	shalt  }
0x66: {  	_ =	shalt  }
0x67: {  	_ =	shalt  }
0x68: {  	_ =	shalt  }
0x69: {  	_ =	shalt  }
0x6a: {  	_ =	shalt  }
0x6b: {  	_ =	shalt  }
0x6c: {  	_ =	shalt  }
0x6d: {  	_ =	shalt  }
0x6e: {  	_ =	shalt  }
0x6f: {  	_ =	shalt  }
0x70: {  	_ =	shalt  }
0x71: {  	_ =	shalt  }
0x72: {  	_ =	shalt  }
0x73: {  	_ =	shalt  }
0x74: {  	_ =	shalt  }
0x75: {  	_ =	shalt  }
0x76: {  	_ =	shalt  }
0x77: {  	_ =	shalt  }
0x78: {  	_ =	shalt  }
0x79: {  	_ =	shalt  }
0x7a: {  	_ =	shalt  }
0x7b: {  	_ =	shalt  }
0x7c: {  	_ =	shalt  }
0x7d: {  	_ =	shalt  }
0x7e: {  	_ =	shalt  }
0x7f: {  	_ =	shalt  }
0x80: {  	_ =	shalt  }
0x81: {  	_ =	shalt  }
0x82: {  	_ =	shalt  }
0x83: {  	_ =	shalt  }
0x84: {  	_ =	shalt  }
0x85: {  	_ =	shalt  }
0x86: {  	_ =	shalt  }
0x87: {  	_ =	shalt  }
.Lfunc_end0:
.L_simem_size_0:
called_computation.1_lowered:
.L_overlay_start_0:
0x88: {  	s2 =	sld [smem:$0x3FD9]  }
0x89: {  	s3 =	sld [smem:$0x3FFE];
	_ =	sdelay $0x1  }
0x8a: {  	s1 =	srdreg.scid  }
0x8b: {  	s0 =	sand.u32 $0x1, s1  }
0x8c: {  	s17 =	sshll.u32 s0, $0xA;
	s2 =	sadd.s32 s3, s2  }
0x8d: {  	s2 =	sadd.s32 s2, s17  }
0x8e: {  	[smem:$0x3FC5] =	sst s2  }
0x8f: {  	_ = 	snop  }
0x90: {  	s2 =	sld [smem:$0x3FD0];
	(tm) =	ssettm $0x1  }
0x91: {  	s18 =	sld [smem:$0x3FFB];
	_ =	sdelay $0x3  }
0x92: {  	_ =	strace s18  }
0x93: {  	s3 =	sld [smem:$0x3FFC];
	_ =	sdelay $0x3  }
0x94: {  	_ =	strace s3  }
0x95: {  	s3 =	sld [smem:$0x3FFD];
	_ =	sdelay $0x3  }
0x96: {  	_ =	strace s3  }
0x97: {  	_ =	strace $0x8FFFFFFF  }
0x98: {  	s19 =	sld [smem:$0x3FDB];
	_ =	sdelay $0x1  }
0x99: {  	s4 =	simm.s32 $_scs_section_size  }
0x9a: {  	s5 =	simm.s32 $_size__tile_overlayer_lowered;
	s6 =	simm.s32 $_tile_overlayer_lowered  }
0x9b: {  	s22 =	simm.s32 $0x1BFF;
	s21 =	sshll.u32 s6, $0x1;
	s3 =	sadd.s32 s4, s19  }
0x9c: {  	s7 =	simm.s32 $0x0;
	s20 =	sshll.u32 s5, $0x1;
	s5 =	sadd.s32 s21, s3  }
0x9d: {  	[timem:s7], [sflag:s22] =	dma.local [hbm:s5], s20  }
0x9e: {  	_ =	swait.ge [sflag:s22], s20  }
0x9f: {  	s4 =	ssub.s32 $0x0, s20;
	[sflag:s22] =	ssyncset.done $0x0  }
0xa0: {  	[sflag:s22] =	ssyncadd.s32 s4;
	_ =	sdelay $0x1  }
0xa1: {  	s23 =	simm.s32 $0x1B8B  }
0xa2: {  	_ =	swait.ge [sflag:s23], $0x1  }
0xa3: {  	[sflag:s23] =	ssyncset.done $0x0  }
0xa4: {  	s25 =	simm.s32 $0x1B8E;
	s24 =	sld [smem:$0x3FFE];
	[sflag:s23] =	ssyncadd.s32 $0xFFFFFFFF  }
0xa5: {  	s26 =	simm.s32 $execute0_lowered;
	[smem:$0x3FD2] =	sst s25  }
0xa6: {  	s5 =	sshll.u32 s26, $0x1;
	_ =	strace $0x80000046;
	[dreg:$0x1] =	wrdreg $0xFFFFFFFF  }
0xa7: {  	s28 =	simm.s32 $_size_execute0_lowered;
	s3 =	sadd.s32 s3, s5;
	[dreg:$0x0] =	wrdreg $0x0  }
0xa8: {  	s5 =	sshll.u32 s28, $0x1;
	[dreg:$0x2] =	wrdreg s3  }
0xa9: {  	[dreg:$0x3] =	wrdreg s5  }
0xaa: {  	[dreg:$0x4] =	wrdreg $0xC0  }
0xab: {  	_ =	task [dreg:s7], $0x5FFFF  }
0xac: {  	[dreg:$0x1] =	wrdreg $0xFFFFFFFF  }
0xad: {  	[dreg:$0x0] =	wrdreg $0x60  }
0xae: {  	[dreg:$0x2] =	wrdreg s24  }
0xaf: {  	[dreg:$0x3] =	wrdreg s2  }
0xb0: {  	[dreg:$0x4] =	wrdreg $0x9  }
0xb1: {  	_ =	task.clear_ibuf [dreg:s7], $0x5FFFF;
	_ =	strace $0x90000046  }
0xb2: {  	s29 =	simm.s32 $0x9;
	_ =	strace $0x80000048  }
0xb3: {  	_ =	swait.ge [sflag:s29], $0x1  }
0xb4: {  	[sflag:s29] =	ssyncadd.s32 $0xFFFFFFFF  }
0xb5: {  	_ =	strace $0x90000048  }
0xb6: {  	_ =	sfence  }
0xb7: {  	s30 =	sld [smem:$0x0];
	_ =	sdelay $0x2  }
0xb8: {  	s31 =	sshll.u32 s1, $0xD;
	s1 =	sshrl.u32 s1, $0x2  }
0xb9: {  	s3 =	sand.u32 $0x4000, s31;
	s1 =	sadd.s32 s1, s30  }
0xba: {  	s0 =	sor.u32 s3, s0;
	s1 =	sshll.u32 s1, $0x11  }
0xbb: {  	s0 =	sor.u32 s1, s0  }
0xbc: {  	s0 =	sadd.s32 $0x8F2B, s0  }
0xbd: {  	[sflag:s0] =	ssyncadd.remote.s32 $0x1  }
0xbe: {  	_ =	sfence.sel $0xFFFF  }
0xbf: {  	[dreg:$0x0] =	wrdreg $0xFFFFFFFF;
	(pc) =	sbr.abs _section_cstart, $3  }
0xc0: {  	[dreg:$0x1] =	wrdreg $0xFFFFFFFF  }
0xc1: {  	_ =	task.clear_ibuf [dreg:s7], $0x2FFFF;
	_ =	strace $0x9FFFFFFF  }
0xc2: {  	(tm) =	ssettm $0x7FFFFFFF  }
0xc3: {  	_ =	shalt  }
tec
execute0_lowered:
.L_overlay_start_1:
0x0: {  	(tag) =	ssettag $0x1  }
0x1: {  	s0 =	rddreg [dreg:$0x0]  }
0x2: {  	s2 =	rddreg [dreg:$0x1]  }
0x3: {  	s1 =	srdreg.scid;
	s10 =	stileid.u32  }
0x4: {  	s3 =	simm.s32 $0x0;
	s28 =	simm.s32 $0x5;
	s18 =	smul.u32 $0x640000, s10  }
0x5: {  	s29 =	simm.s32 $0x200;
	s30 =	simm.s32 $0x280;
	s13 =	smul.u32 $0xC800, s10  }
0x6: {  	s31 =	simm.s32 $0x4;
	s1 =	sand.u32 $0x1, s1;
	s24 =	smul.u32 $0xC8000, s10  }
0x7: {  	s4 =	sshll.u32 s10, $0x1;
	[smem:$0x7FF] =	sst s3;
	s20 =	smul.u32 $0x320000, s1  }
0x8: {  	s5 =	sadd.s32 $0x1B400, s0;
	s6 =	sor.u32 s1, s4;
	s23 =	smul.u32 $0x6400, s1  }
0x9: {  	_ =	strace $0x80000047;
	s16 =	ssub.s32 $0x2, s1;
	s1 =	smul.u32 $0x64000, s1  }
0xa: {  	s4 =	sadd.s32 $0x2400, s0;
	s7 =	smul.u32 $0x6400, s6;
	s8 =	sshrl.u32 s16, $0x1  }
0xb: {  	s11 =	smul.u32 $0x320000, s6;
	s0 =	ssub.s32 s16, s8;
	s6 =	sadd.s32 s20, s18  }
0xc: {  	s25 =	sadd.s32 s23, s13;
	s18 =	simm.s32 $0x80;
	s20 =	simm.s32 $0x4800  }
0xd: {  	s23 =	simm.s32 $0x8800;
	s9 =	sshrl.u32 s7, $0x3;
	s8 =	sshrl.u32 s7, $0xA  }
0xe: {  	s19 =	sor.u32 $0x100, s7;
	s12 =	sor.u32 $0x200, s7;
	[dreg:$0x3] =	wrdreg s11  }
0xf: {  	s21 =	sshrl.u32 s11, $0x3;
	s7 =	sadd.s32 $0xFFFFFF00, s7;
	[dreg:$0x5] =	wrdreg s19  }
0x10: {  	s0 =	smax.u32 s0, $0x1;
	s6 =	sshrl.u32 s6, $0x3;
	[dreg:$0x6] =	wrdreg s12  }
0x11: {  	s17 =	sadd.s32 s4, s9;
	[dreg:$0x7] =	wrdreg s7;
	s22 =	sadd.s32 s5, s21  }
0x12: {  	[dreg:$0x9] =	wrdreg s0;
	s0 =	sadd.s32 s24, s5;
	s15 =	sadd.s32 s6, s5  }
0x13: {  	s19 =	simm.s32 $0x800;
	s21 =	simm.s32 $0x400;
	s24 =	simm.s32 $0x180  }
0x14: {  	s12 =	simm.s32 $0x2;
	s9 =	simm.s32 $0x0;
	[dreg:$0x4] =	wrdreg s17  }
.Ltmp0:
0x15: {  	s7 =	sadd.s32 $0x63000, s22;
	s14 =	sadd.s32 s1, s0;
	(pc) =	sbr.rel .LBB2_1-.Ltmp0, $4  }
0x16: {  	s17 =	simm.s32 $0x1;
	[dreg:$0x8] =	wrdreg s7;
	s7 =	sshrl.u32 s25, $0x3  }
0x17: {  	s22 =	simm.s32 $0x100;
	s1 =	simm.s32 $0x300;
	s26 =	sadd.s32 s7, s4  }
0x18: {  	s25 =	simm.s32 $0xC800;
	s7 =	simm.s32 $0x380;
	s0 =	sadd.s32 $0x100, s26  }
0x19: {  	s26 =	simm.s32 $0x3;
	[dreg:$0xa] =	wrdreg s0;
	s0 =	simm.s32 $0x6  }
.LBB2_11:
0x1a: {  	_ =	swait.ge [sflag:s31], $0x4000  }
0x1b: {  	[sflag:s31] =	ssyncset.done $0x0  }
0x1c: {  	[sflag:s31] =	ssyncadd.s32 $0xFFFFC000  }
0x1d: {  	_ =	swait.ge [sflag:s31], $0x4000  }
0x1e: {  	[sflag:s31] =	ssyncset.done $0x0  }
0x1f: {  	s6 =	rddreg [dreg:$0x8];
	[sflag:s31] =	ssyncadd.s32 $0xFFFFC000  }
0x20: {  	[hbm4b:s6+s3] =	stream.linear.scatter [tilespmem:s23], [sflag:$0x6], $0x8000, $0x38;
	[tilespmem:$0x10800] =	vst v63  }
0x21: {  	_ =	swait.ge [sflag:s28], $0x8000  }
0x22: {  	[sflag:s28] =	ssyncset.done $0x0  }
0x23: {  	[sflag:s28] =	ssyncadd.s32 $0xFFFF8000  }
0x24: {  	_ =	swait.ge [sflag:s0], $0x8000  }
0x25: {  	s9 =	rddreg [dreg:$0xb]  }
0x26: {  	s16 =	rddreg [dreg:$0x9];
	s9 =	sadd.s32 $0x1, s9  }
0x27: {  	p0 =	sne.s32 s9, s16  }
.Ltmp1:
0x28: {  	_ = 	snop;
	(pc) =	sbr.rel @!p0 .LBB2_12-.Ltmp1, $3  }
0x29: {  	_ =	sdelay $0x1  }
0x2a: {  	[sflag:s0] =	ssyncset.done $0x0  }
0x2b: {  	[sflag:s0] =	ssyncadd.s32 $0xFFFF8000  }
.LBB2_1:
.Ltmp2:
0x2c: {  	(pc) =	sbr.rel .LBB2_2-.Ltmp2, $4  }
0x2d: {  	[dreg:$0xb] =	wrdreg s9  }
0x2e: {  	s6 =	rddreg [dreg:$0x4]  }
0x2f: {  	[tilespmem:s3], [sflag:$0x1] =	stream.linear.gather [hbm4b:s6+s3], $0x400, $0x38;
	[tilespmem:$0x10800] =	vst v63  }
0x30: {  	s16 =	simm.s32 $0x1;
	s13 =	rddreg [dreg:$0xa];
	s6 =	simm.s32 $0x0  }
.LBB2_10:
0x31: {  	s6 =	sadd.s32 $0x8000, s6  }
0x32: {  	p0 =	sne.s32 s6, $0x68000  }
.Ltmp3:
0x33: {  	_ = 	snop;
	(pc) =	sbr.rel @!p0 .LBB2_11-.Ltmp3, $2  }
0x34: {  	_ =	sdelay $0x2  }
0x35: {  	s13 =	sadd.s32 $0x100, s13;
	s16 =	sadd.s32 $0x2, s16  }
.LBB2_2:
0x36: {  	p0 =	sne.s32 s6, $0x0  }
.Ltmp4:
0x37: {  	_ = 	snop;
	(pc) =	sbr.rel @!p0 .LBB2_3-.Ltmp4, $4  }
0x38: {  	_ = 	snop  }
0x39: {  	_ =	swait.ge [sflag:s17], $0x400  }
0x3a: {  	[sflag:s17] =	ssyncset.done $0x0  }
0x3b: {  	[sflag:s17] =	ssyncadd.s32 $0xFFFFFC00  }
0x3c: {  	_ =	swait.ge [sflag:s28], $0x8000  }
0x3d: {  	[sflag:s28] =	ssyncset.done $0x0  }
0x3e: {  	[sflag:s28] =	ssyncadd.s32 $0xFFFF8000  }
0x3f: {  	[tilespmem:s19], [sflag:$0x3] =	stream.indirect.gather [hbm4b:s2+s18], $0x80, s3, s18, $0xb8;
	[tilespmem:$0x10800] =	vst v63  }
0x40: {  	_ = 	snop  }
0x41: {  	[tilespmem:s20], [sflag:$0x3] =	stream.indirect.gather [hbm4b:s2+s18], $0x80, s18, s18, $0xb8;
	[tilespmem:$0x10800] =	vst v63  }
0x42: {  	_ =	swait.ge [sflag:s31], $0x4000  }
0x43: {  	[sflag:s31] =	ssyncset.done $0x0  }
0x44: {  	p0 =	sgt.u32 s16, $0x18;
	[sflag:s31] =	ssyncadd.s32 $0xFFFFC000  }
.Ltmp5:
0x45: {  	_ =	swait.ge [sflag:s31], $0x4000;
	(pc) =	sbr.rel @!p0 .LBB2_4-.Ltmp5, $4  }
0x46: {  	s9 =	sadd.s32 s6, s14;
	[sflag:s31] =	ssyncset.done $0x0  }
0x47: {  	s9 =	sadd.s32 $0xFFFFF000, s9;
	[sflag:s31] =	ssyncadd.s32 $0xFFFFC000  }
0x48: {  	[hbm4b:s9+s3] =	stream.linear.scatter [tilespmem:s23], [sflag:$0x6], $0x8000, $0x38;
	[tilespmem:$0x10800] =	vst v63  }
0x49: {  	s9 =	smov.u32 s16  }
.Ltmp6:
0x4a: {  	(pc) =	sbr.rel .LBB2_7-.Ltmp6, $2  }
0x4b: {  	_ =	sdelay $0x2  }
0x4c: {  	p0 =	por $0x0, $0x0;
	s9 =	simm.s32 $0x19  }
.LBB2_3:
0x4d: {  	[tilespmem:s19], [sflag:$0x3] =	stream.indirect.gather [hbm4b:s2+s18], $0x80, s3, s18, $0xb8;
	[tilespmem:$0x10800] =	vst v63  }
0x4e: {  	s9 =	simm.s32 $0x1  }
0x4f: {  	[tilespmem:s20], [sflag:$0x3] =	stream.indirect.gather [hbm4b:s2+s18], $0x80, s18, s18, $0xb8;
	[tilespmem:$0x10800] =	vst v63  }
.LBB2_4:
0x50: {  	p1 =	seq.s32 s6, $0x0  }
.Ltmp7:
0x51: {  	_ = 	snop;
	(pc) =	sbr.rel @p1 .LBB2_8-.Ltmp7, $4  }
0x52: {  	s10 =	sadd.s32 s8, s9  }
0x53: {  	s10 =	sshll.u32 s10, $0x7  }
0x54: {  	p0 =	por $0x1, $0x1;
	s10 =	sadd.s32 s4, s10  }
0x55: {  	[tilespmem:s21], [sflag:$0x2] =	stream.linear.gather [hbm4b:s10+s3], $0x400, $0x38;
	[tilespmem:$0x10800] =	vst v63  }
.LBB2_7:
0x56: {  	_ =	swait.ge [sflag:s0], $0x8000  }
0x57: {  	[sflag:s0] =	ssyncset.done $0x0  }
0x58: {  	[sflag:s0] =	ssyncadd.s32 $0xFFFF8000  }
.LBB2_8:
0x59: {  	[tilespmem:s23], [sflag:$0x4] =	stream.indirect.gather [hbm4b:s2+s18], $0x80, s22, s18, $0xb8;
	[tilespmem:$0x10800] =	vst v63  }
0x5a: {  	_ = 	snop  }
0x5b: {  	[tilespmem:s25], [sflag:$0x4] =	stream.indirect.gather [hbm4b:s2+s18], $0x80, s24, s18, $0xb8;
	[tilespmem:$0x10800] =	vst v63  }
0x5c: {  	_ =	swait.ge [sflag:s26], $0x4000  }
0x5d: {  	[sflag:s26] =	ssyncset.done $0x0  }
0x5e: {  	[sflag:s26] =	ssyncadd.s32 $0xFFFFC000  }
0x5f: {  	_ =	swait.ge [sflag:s26], $0x4000  }
0x60: {  	[sflag:s26] =	ssyncset.done $0x0  }
0x61: {  	s10 =	sadd.s32 s6, s15;
	[sflag:s26] =	ssyncadd.s32 $0xFFFFC000  }
0x62: {  	[hbm4b:s10+s3] =	stream.linear.scatter [tilespmem:s19], [sflag:$0x5], $0x8000, $0x38;
	[tilespmem:$0x10800] =	vst v63  }
0x63: {  	_ =	swait.ge [sflag:s28], $0x8000  }
0x64: {  	[sflag:s28] =	ssyncset.done $0x0  }
0x65: {  	[sflag:s28] =	ssyncadd.s32 $0xFFFF8000  }
0x66: {  	[tilespmem:s19], [sflag:$0x3] =	stream.indirect.gather [hbm4b:s2+s18], $0x80, s29, s18, $0xb8;
	[tilespmem:$0x10800] =	vst v63  }
0x67: {  	_ = 	snop  }
0x68: {  	[tilespmem:s20], [sflag:$0x3] =	stream.indirect.gather [hbm4b:s2+s18], $0x80, s30, s18, $0xb8;
	[tilespmem:$0x10800] =	vst v63  }
0x69: {  	_ =	swait.ge [sflag:s31], $0x4000  }
0x6a: {  	[sflag:s31] =	ssyncset.done $0x0  }
0x6b: {  	[sflag:s31] =	ssyncadd.s32 $0xFFFFC000  }
0x6c: {  	_ =	swait.ge [sflag:s31], $0x4000  }
0x6d: {  	s10 =	sadd.s32 s6, s14;
	[sflag:s31] =	ssyncset.done $0x0  }
0x6e: {  	s11 =	sadd.s32 $0x1000, s10;
	[sflag:s31] =	ssyncadd.s32 $0xFFFFC000  }
0x6f: {  	[hbm4b:s11+s3] =	stream.linear.scatter [tilespmem:s23], [sflag:$0x6], $0x8000, $0x38;
	[tilespmem:$0x10800] =	vst v63  }
0x70: {  	_ =	swait.ge [sflag:s0], $0x8000  }
0x71: {  	[sflag:s0] =	ssyncset.done $0x0  }
0x72: {  	[sflag:s0] =	ssyncadd.s32 $0xFFFF8000  }
0x73: {  	[tilespmem:s23], [sflag:$0x4] =	stream.indirect.gather [hbm4b:s2+s18], $0x80, s1, s18, $0xb8;
	[tilespmem:$0x10800] =	vst v63  }
0x74: {  	_ = 	snop  }
0x75: {  	[tilespmem:s25], [sflag:$0x4] =	stream.indirect.gather [hbm4b:s2+s18], $0x80, s7, s18, $0xb8;
	[tilespmem:$0x10800] =	vst v63  }
0x76: {  	_ =	swait.ge [sflag:s26], $0x4000  }
0x77: {  	[sflag:s26] =	ssyncset.done $0x0  }
.Ltmp8:
0x78: {  	[sflag:s26] =	ssyncadd.s32 $0xFFFFC000;
	(pc) =	sbr.rel @!p0 .LBB2_10-.Ltmp8, $4  }
0x79: {  	_ =	swait.ge [sflag:s26], $0x4000  }
0x7a: {  	[sflag:s26] =	ssyncset.done $0x0  }
0x7b: {  	s10 =	sadd.s32 $0x2000, s10;
	[sflag:s26] =	ssyncadd.s32 $0xFFFFC000  }
0x7c: {  	[hbm4b:s10+s3] =	stream.linear.scatter [tilespmem:s19], [sflag:$0x5], $0x8000, $0x38;
	[tilespmem:$0x10800] =	vst v63  }
0x7d: {  	_ =	swait.ge [sflag:s12], $0x400  }
0x7e: {  	[sflag:s12] =	ssyncset.done $0x0  }
0x7f: {  	[sflag:s12] =	ssyncadd.s32 $0xFFFFFC00  }
0x80: {  	_ =	swait.ge [sflag:s28], $0x8000  }
0x81: {  	[sflag:s28] =	ssyncset.done $0x0  }
0x82: {  	[sflag:s28] =	ssyncadd.s32 $0xFFFF8000  }
0x83: {  	[tilespmem:s19], [sflag:$0x3] =	stream.indirect.gather [hbm4b:s2+s18], $0x80, s21, s18, $0xb8;
	[tilespmem:$0x10800] =	vst v63  }
0x84: {  	s10 =	simm.s32 $0x480  }
0x85: {  	[tilespmem:s20], [sflag:$0x3] =	stream.indirect.gather [hbm4b:s2+s18], $0x80, s10, s18, $0xb8;
	[tilespmem:$0x10800] =	vst v63  }
0x86: {  	_ =	swait.ge [sflag:s31], $0x4000  }
0x87: {  	[sflag:s31] =	ssyncset.done $0x0  }
0x88: {  	[sflag:s31] =	ssyncadd.s32 $0xFFFFC000  }
0x89: {  	_ =	swait.ge [sflag:s31], $0x4000  }
0x8a: {  	s10 =	sshll.u32 s9, $0xA;
	s11 =	rddreg [dreg:$0x7]  }
0x8b: {  	s11 =	sadd.s32 s10, s11  }
0x8c: {  	[sflag:s31] =	ssyncset.done $0x0;
	s11 =	sshll.u32 s11, $0x4  }
0x8d: {  	p0 =	seq.s32 s6, $0x60000;
	[sflag:s31] =	ssyncadd.s32 $0xFFFFC000;
	s11 =	sadd.s32 s5, s11  }
0x8e: {  	[hbm4b:s11+s3] =	stream.linear.scatter [tilespmem:s23], [sflag:$0x6], $0x8000, $0x38;
	[tilespmem:$0x10800] =	vst v63  }
0x8f: {  	s11 =	simm.s32 @!p0 $0x0  }
0x90: {  	[tilespmem:s11], [sflag:$0x1] =	stream.linear.gather @!p0 [hbm4b:s13+s11], $0x400, $0x38;
	[tilespmem:$0x10800] =	vst v63  }
0x91: {  	_ =	swait.ge [sflag:s0], $0x8000  }
0x92: {  	[sflag:s0] =	ssyncset.done $0x0  }
0x93: {  	s11 =	simm.s32 $0x500;
	[sflag:s0] =	ssyncadd.s32 $0xFFFF8000  }
0x94: {  	[tilespmem:s23], [sflag:$0x4] =	stream.indirect.gather [hbm4b:s2+s18], $0x80, s11, s18, $0xb8;
	[tilespmem:$0x10800] =	vst v63  }
0x95: {  	s11 =	simm.s32 $0x580  }
0x96: {  	[tilespmem:s25], [sflag:$0x4] =	stream.indirect.gather [hbm4b:s2+s18], $0x80, s11, s18, $0xb8;
	[tilespmem:$0x10800] =	vst v63  }
0x97: {  	_ =	swait.ge [sflag:s26], $0x4000  }
0x98: {  	[sflag:s26] =	ssyncset.done $0x0  }
0x99: {  	[sflag:s26] =	ssyncadd.s32 $0xFFFFC000  }
0x9a: {  	_ =	swait.ge [sflag:s26], $0x4000  }
0x9b: {  	s9 =	sshll.u32 s9, $0x11;
	s11 =	rddreg [dreg:$0x3]  }
0x9c: {  	s9 =	sadd.s32 s11, s9  }
0x9d: {  	[sflag:s26] =	ssyncset.done $0x0;
	s9 =	sshrl.u32 s9, $0x3  }
0x9e: {  	[sflag:s26] =	ssyncadd.s32 $0xFFFFC000;
	s9 =	sadd.s32 s5, s9  }
0x9f: {  	[hbm4b:s9+s3] =	stream.linear.scatter [tilespmem:s19], [sflag:$0x5], $0x8000, $0x38;
	[tilespmem:$0x10800] =	vst v63  }
0xa0: {  	_ =	swait.ge [sflag:s28], $0x8000  }
0xa1: {  	[sflag:s28] =	ssyncset.done $0x0  }
0xa2: {  	s11 =	simm.s32 $0x600;
	[sflag:s28] =	ssyncadd.s32 $0xFFFF8000  }
0xa3: {  	[tilespmem:s19], [sflag:$0x3] =	stream.indirect.gather [hbm4b:s2+s18], $0x80, s11, s18, $0xb8;
	[tilespmem:$0x10800] =	vst v63  }
0xa4: {  	s11 =	simm.s32 $0x680  }
0xa5: {  	[tilespmem:s20], [sflag:$0x3] =	stream.indirect.gather [hbm4b:s2+s18], $0x80, s11, s18, $0xb8;
	[tilespmem:$0x10800] =	vst v63  }
0xa6: {  	_ =	swait.ge [sflag:s31], $0x4000  }
0xa7: {  	[sflag:s31] =	ssyncset.done $0x0  }
0xa8: {  	[sflag:s31] =	ssyncadd.s32 $0xFFFFC000  }
0xa9: {  	_ =	swait.ge [sflag:s31], $0x4000  }
0xaa: {  	s11 =	rddreg [dreg:$0x5]  }
0xab: {  	s9 =	sadd.s32 s10, s11  }
0xac: {  	[sflag:s31] =	ssyncset.done $0x0;
	s9 =	sshll.u32 s9, $0x4  }
0xad: {  	[sflag:s31] =	ssyncadd.s32 $0xFFFFC000;
	s9 =	sadd.s32 s5, s9  }
0xae: {  	[hbm4b:s9+s3] =	stream.linear.scatter [tilespmem:s23], [sflag:$0x6], $0x8000, $0x38;
	[tilespmem:$0x10800] =	vst v63  }
0xaf: {  	_ =	swait.ge [sflag:s0], $0x8000  }
0xb0: {  	[sflag:s0] =	ssyncset.done $0x0  }
0xb1: {  	s11 =	simm.s32 $0x700;
	[sflag:s0] =	ssyncadd.s32 $0xFFFF8000  }
0xb2: {  	[tilespmem:s23], [sflag:$0x4] =	stream.indirect.gather [hbm4b:s2+s18], $0x80, s11, s18, $0xb8;
	[tilespmem:$0x10800] =	vst v63  }
0xb3: {  	s11 =	simm.s32 $0x780  }
0xb4: {  	[tilespmem:s25], [sflag:$0x4] =	stream.indirect.gather [hbm4b:s2+s18], $0x80, s11, s18, $0xb8;
	[tilespmem:$0x10800] =	vst v63  }
0xb5: {  	_ =	swait.ge [sflag:s26], $0x4000  }
0xb6: {  	[sflag:s26] =	ssyncset.done $0x0  }
0xb7: {  	[sflag:s26] =	ssyncadd.s32 $0xFFFFC000  }
0xb8: {  	_ =	swait.ge [sflag:s26], $0x4000  }
.Ltmp9:
0xb9: {  	s11 =	rddreg [dreg:$0x6];
	(pc) =	sbr.rel .LBB2_10-.Ltmp9, $4  }
0xba: {  	s9 =	sadd.s32 s10, s11  }
0xbb: {  	[sflag:s26] =	ssyncset.done $0x0;
	s9 =	sshll.u32 s9, $0x4  }
0xbc: {  	[sflag:s26] =	ssyncadd.s32 $0xFFFFC000;
	s9 =	sadd.s32 s5, s9  }
0xbd: {  	[hbm4b:s9+s3] =	stream.linear.scatter [tilespmem:s19], [sflag:$0x5], $0x8000, $0x38;
	[tilespmem:$0x10800] =	vst v63  }
.LBB2_12:
0xbe: {  	_ =	sfence.sel $0x180000  }
0xbf: {  	[bflag:$0x0] =	sbarrier.arrive $0xFFFF  }
0xc0: {  	_ =	strace $0x90000047  }
0xc1: {  	s0 =	stileid.u32;
	[bflag:$0x2] =	sbarrier.arrive $0xFFFF  }
0xc2: {  	p0 =	sne.s32 s0, $0x0;
	s0 =	rddreg [dreg:$0x2]  }
0xc3: {  	s0 =	sadd.s32 @!p0 $0x100000, s0  }
0xc4: {  	[sflag:s0] =	ssyncadd.tile.s32 @!p0 $0x1;
	_ =	shalt  }
.Lfunc_end2:
_tile_overlayer_lowered:
.L_overlay_start_2:
0xc5: {  	(tag) =	ssettag $0x2  }
0xc6: {  	s0 =	rddreg [dreg:$0x0];
	s2 =	stileid.u32  }
0xc7: {  	s1 =	rddreg [dreg:$0x1];
	p0 =	sne.s32 s2, $0x0  }
0xc8: {  	s3 =	rddreg [dreg:$0x2];
	[bflag:$0x3] =	sbarrier.arrive $0xFFFF;
	s2 =	simm.s32 @!p0 $0x1C07  }
0xc9: {  	[timem:s3], [sflag:s2] =	dma.local @!p0 [hbm:s0], s1  }
0xca: {  	s0 =	simm.s32 @!p0 $0x7  }
0xcb: {  	_ =	swait.ge @!p0 [sflag:s0], s1  }
0xcc: {  	s1 =	ssub.s32 @!p0 $0x0, s1;
	[sflag:s0] =	ssyncset.done @!p0 $0x0  }
0xcd: {  	[sflag:s0] =	ssyncadd.s32 @!p0 s1  }
0xce: {  	[bflag:$0x3] =	sbarrier.arrive $0xFFFF  }
0xcf: {  	_ =	shalt  }

// kernel: sparse-core-data-format-call.cloned.1.call-start
scs
called_computation_lowered:
.L_overlay_start_0:
0x0: {  	s2 =	sld [smem:$0x3FD9]  }
0x1: {  	s3 =	sld [smem:$0x3FFE];
	_ =	sdelay $0x1  }
0x2: {  	s1 =	srdreg.scid  }
0x3: {  	s0 =	sand.u32 $0x1, s1  }
0x4: {  	s18 =	sshll.u32 s0, $0xA;
	s2 =	sadd.s32 s3, s2  }
0x5: {  	s2 =	sadd.s32 s2, s18  }
0x6: {  	[smem:$0x3FC5] =	sst s2  }
0x7: {  	_ = 	snop  }
0x8: {  	s2 =	sld [smem:$0x3FD0];
	(tm) =	ssettm $0x1  }
0x9: {  	s19 =	sld [smem:$0x3FFB];
	_ =	sdelay $0x3  }
0xa: {  	_ =	strace s19  }
0xb: {  	s3 =	sld [smem:$0x3FFC];
	_ =	sdelay $0x3  }
0xc: {  	_ =	strace s3  }
0xd: {  	s3 =	sld [smem:$0x3FFD];
	_ =	sdelay $0x3  }
0xe: {  	_ =	strace s3  }
0xf: {  	_ =	strace $0x8FFFFFFF  }
0x10: {  	s20 =	sld [smem:$0x3FDB];
	_ =	sdelay $0x1  }
0x11: {  	s4 =	simm.s32 $_scs_section_size  }
0x12: {  	s5 =	simm.s32 $_size__tile_overlayer_lowered;
	s6 =	simm.s32 $_tile_overlayer_lowered  }
0x13: {  	s23 =	simm.s32 $0x1BFF;
	s22 =	sshll.u32 s6, $0x1;
	s3 =	sadd.s32 s4, s20  }
0x14: {  	s7 =	simm.s32 $0x0;
	s21 =	sshll.u32 s5, $0x1;
	s5 =	sadd.s32 s22, s3  }
0x15: {  	[timem:s7], [sflag:s23] =	dma.local [hbm:s5], s21  }
0x16: {  	_ =	swait.ge [sflag:s23], s21  }
0x17: {  	s4 =	ssub.s32 $0x0, s21;
	[sflag:s23] =	ssyncset.done $0x0  }
0x18: {  	[sflag:s23] =	ssyncadd.s32 s4;
	_ =	sdelay $0x1  }
0x19: {  	s24 =	simm.s32 $0x1B8B  }
0x1a: {  	_ =	swait.ge [sflag:s24], $0x1  }
0x1b: {  	[sflag:s24] =	ssyncset.done $0x0  }
0x1c: {  	s26 =	simm.s32 $0x1B8E;
	s25 =	sld [smem:$0x3FFE];
	[sflag:s24] =	ssyncadd.s32 $0xFFFFFFFF  }
0x1d: {  	s27 =	simm.s32 $execute0_lowered;
	[smem:$0x3FD2] =	sst s26  }
0x1e: {  	s5 =	sshll.u32 s27, $0x1;
	_ =	strace $0x80000049;
	[dreg:$0x1] =	wrdreg $0xFFFFFFFF  }
0x1f: {  	s28 =	simm.s32 $_size_execute0_lowered;
	s3 =	sadd.s32 s3, s5;
	[dreg:$0x0] =	wrdreg $0x0  }
0x20: {  	s5 =	sshll.u32 s28, $0x1;
	[dreg:$0x2] =	wrdreg s3  }
0x21: {  	[dreg:$0x3] =	wrdreg s5  }
0x22: {  	[dreg:$0x4] =	wrdreg $0xC0  }
0x23: {  	_ =	task [dreg:s7], $0x5FFFF  }
0x24: {  	[dreg:$0x1] =	wrdreg $0xFFFFFFFF  }
0x25: {  	[dreg:$0x0] =	wrdreg $0x60  }
0x26: {  	[dreg:$0x2] =	wrdreg s25  }
0x27: {  	[dreg:$0x3] =	wrdreg s2  }
0x28: {  	[dreg:$0x4] =	wrdreg $0x9  }
0x29: {  	_ =	task.clear_ibuf [dreg:s7], $0x5FFFF;
	_ =	strace $0x90000049  }
0x2a: {  	s29 =	simm.s32 $0x9;
	_ =	strace $0x8000004B  }
0x2b: {  	_ =	swait.ge [sflag:s29], $0x1  }
0x2c: {  	[sflag:s29] =	ssyncadd.s32 $0xFFFFFFFF  }
0x2d: {  	_ =	strace $0x9000004B  }
0x2e: {  	_ =	sfence  }
0x2f: {  	s30 =	sld [smem:$0x0];
	_ =	sdelay $0x2  }
0x30: {  	s31 =	sshll.u32 s1, $0xD;
	s1 =	sshrl.u32 s1, $0x2  }
0x31: {  	s3 =	sand.u32 $0x4000, s31;
	s1 =	sadd.s32 s1, s30  }
0x32: {  	s0 =	sor.u32 s3, s0;
	s1 =	sshll.u32 s1, $0x11  }
0x33: {  	s0 =	sor.u32 s1, s0  }
0x34: {  	s0 =	sadd.s32 $0x8F2B, s0  }
0x35: {  	[sflag:s0] =	ssyncadd.remote.s32 $0x1  }
0x36: {  	_ =	sfence.sel $0xFFFF  }
0x37: {  	[dreg:$0x0] =	wrdreg $0xFFFFFFFF;
	(pc) =	sbr.abs _section_cstart, $3  }
0x38: {  	[dreg:$0x1] =	wrdreg $0xFFFFFFFF  }
0x39: {  	_ =	task.clear_ibuf [dreg:s7], $0x2FFFF;
	_ =	strace $0x9FFFFFFF  }
0x3a: {  	(tm) =	ssettm $0x7FFFFFFF  }
0x3b: {  	_ =	shalt  }
tec
execute0_lowered:
.L_overlay_start_1:
0x0: {  	(tag) =	ssettag $0x1  }
0x1: {  	s0 =	srdreg.scid  }
0x2: {  	s1 =	sshll.u32 s0, $0x4  }
0x3: {  	s0 =	stileid.u32;
	s1 =	sand.u32 $0x10, s1  }
0x4: {  	s1 =	sor.u32 s0, s1  }
0x5: {  	s6 =	rddreg [dreg:$0x0];
	s4 =	simm.s32 $0x1;
	s2 =	sshll.u32 s1, $0x7  }
0x6: {  	s7 =	simm.s32 $0x2;
	s12 =	simm.s32 $0x0;
	s1 =	ssub.s32 $0x1000, s2  }
0x7: {  	s8 =	simm.s32 $0x8000;
	s13 =	simm.s32 $0x0;
	s3 =	sand.u32 $0xF80, s1  }
0x8: {  	s9 =	simm.s32 $0x0;
	s5 =	sshrl.u32 s1, $0xC;
	p0 =	sne.s32 s3, $0x0  }
.Ltmp0:
0x9: {  	s1 =	rddreg [dreg:$0x2];
	s4 =	simm.s32 @!p0 $0x0;
	(pc) =	sbr.rel .LBB1_1-.Ltmp0, $4  }
0xa: {  	s11 =	simm.s32 $0x0;
	s3 =	rddreg [dreg:$0x1];
	s5 =	sadd.s32 s4, s5  }
0xb: {  	_ =	strace $0x8000004A;
	s4 =	simm.s32 $0x1;
	s5 =	smul.u32 $0xC8, s5  }
0xc: {  	s6 =	sadd.s32 $0x1B400, s6;
	s10 =	smov.u32 s2;
	[sflag:s4] =	ssyncpa.u1 $0x0  }
0xd: {  	p0 =	por $0x0, $0x0;
	[sflag:s7] =	ssyncpa.u1 $0x0;
	s7 =	sor.u32 $0x1, s5  }
.LBB1_4:
0xe: {  	s16 =	sshll.u32 s13, $0x3;
	s17 =	sand.u32 $0x78, s13  }
0xf: {  	s30 =	sand.u32 $0x7E00, s13;
	s12 =	sshll.u32 s12, $0xF;
	s16 =	sand.u32 $0xC00, s16  }
0x10: {  	[tilespmem:s15+$0x810 ss:$0x81] =	vst.msk $0xffff, v2;
	s31 =	sand.u32 $0x7, s13;
	s16 =	sor.u32 s17, s16;
	s17 =	sadd.s32 s3, s30  }
0x11: {  	[tilespmem:s15+$0x1020 ss:$0x81] =	vst.msk $0xffff, v0;
	s13 =	sshll.u32 s31, $0x12;
	s12 =	sadd.s32 s12, s17;
	s16 =	sshrl.u32 s16, $0x3  }
0x12: {  	[tilespmem:s15+$0x0 ss:$0x81] =	vst.msk $0xffff, v1;
	s13 =	sor.u32 $0x400, s13;
	s12 =	sadd.s32 s16, s12  }
0x13: {  	[hbm4b:s12+s13] =	stream.strided.scatter [tilespmem:s14], [sflag:$0x2], $0x2000, s8, s13, $0x20;
	[tilespmem:$0x8080] =	vst v63  }
.LBB1_5:
0x14: {  	s14 =	sadd.s32 $0x1, s9  }
0x15: {  	s12 =	sadd.s32 $0x1000, s10;
	s16 =	smov.u32 s10;
	p2 =	sgt.s32 s14, $0xC7  }
0x16: {  	s16 =	smov.u32 @p2 s12  }
0x17: {  	s14 =	simm.s32 @p2 $0x0;
	p2 =	sgt.s32 s16, $0xFFF  }
0x18: {  	s16 =	smov.u32 @p2 s2;
	p2 =	sne.s32 s11, s7  }
.Ltmp1:
0x19: {  	p1 =	slt.u32 s11, $0x2;
	(pc) =	sbr.rel @!p2 .LBB1_6-.Ltmp1, $4  }
0x1a: {  	s15 =	simm.s32 @!p1 $0x2  }
0x1b: {  	s13 =	smov.u32 s10;
	p0 =	por !p0, !p0;
	_ =	swait.ge @!p1 [sflag:s15], $0x2000  }
0x1c: {  	s12 =	smov.u32 s9;
	[sflag:s15] =	ssyncset.done @!p1 $0x0;
	s9 =	smov.u32 s14  }
0x1d: {  	s11 =	sadd.s32 $0x1, s11;
	[sflag:s15] =	ssyncadd.s32 @!p1 $0xFFFFE000;
	s10 =	smov.u32 s16  }
.LBB1_1:
0x1e: {  	p1 =	sge.u32 s11, s5  }
0x1f: {  	s14 =	sand.u32 @!p1 $0x1FFFFFF, s9  }
0x20: {  	s15 =	smulhi.u32 @!p1 $0x147AE15, s14;
	_ =	sdelay $0x1  }
0x21: {  	s15 =	smul.u32 @!p1 $0xC8, s15  }
0x22: {  	s16 =	sxor.u32 @!p1 $0xFFFFFFFF, s11;
	s17 =	smul.u32 @!p1 $0xC80, s10  }
0x23: {  	s31 =	sadd.s32 $0xFFFFFFFF, s11;
	s16 =	sshll.u32 @!p1 s16, $0xD;
	s14 =	ssub.s32 @!p1 s14, s15  }
0x24: {  	s15 =	sand.u32 @!p1 $0x2000, s16;
	s16 =	sadd.s32 @!p1 s6, s17;
	s14 =	sshll.u32 @!p1 s14, $0x4  }
0x25: {  	s17 =	simm.s32 @!p1 $0x6400;
	s14 =	sadd.s32 @!p1 s14, s16;
	s16 =	simm.s32 @!p1 $0x40  }
0x26: {  	[tilespmem:s15], [sflag:$0x1] =	stream.strided.gather @!p1 [hbm4b:s14+s16], $0x2000, s17, s16, $0x38;
	[tilespmem:$0x8080] =	vst v63  }
0x27: {  	p1 =	sge.u32 s31, s5  }
.Ltmp2:
0x28: {  	_ = 	snop;
	(pc) =	sbr.rel @p1 .LBB1_5-.Ltmp2, $1  }
0x29: {  	_ =	sdelay $0x3  }
0x2a: {  	s14 =	simm.s32 $0x1  }
0x2b: {  	_ =	swait.ge [sflag:s4], $0x2000;
	s14 =	simm.s32 @!p0 $0x0  }
0x2c: {  	[sflag:s4] =	ssyncset.done $0x0;
	s15 =	sshll.u32 s14, $0xD  }
0x2d: {  	[sflag:s4] =	ssyncadd.s32 $0xFFFFE000;
	s18 =	sor.u32 $0x20, s15  }
0x2e: {  	s14 =	smul.u32 $0x8100, s14;
	v3 =	vld [tilespmem:s18+$0x10]  }
0x2f: {  	s30 =	sand.u32 $0x1, s11;
	v2 =	vld [tilespmem:s18+$0xFFFFFFF0]  }
0x30: {  	s15 =	smul.u32 $0x8100, s30;
	s14 =	sshrl.u32 s14, $0x2;
	v0 =	vld [tilespmem:s18+$0x0]  }
0x31: {  	v1 =	vld [tilespmem:s18+$0xFFFFFFE0];
	s16 =	sor.u32 $0x4000, s14  }
0x32: {  	s31 =	sshrl.u32 s15, $0x2;
	s15 =	sadd.s32 $0x0, s16  }
0x33: {  	s17 =	simm.s32 $0x4;
	s18 =	sadd.s32 $0x40, s18;
	s14 =	sor.u32 $0x4000, s31;
	[tilespmem:s15+$0x1830 ss:$0x81] =	vst.msk $0xffff, v3  }
.LBB1_3:
0x34: {  	v3 =	vld [tilespmem:s18+$0x10];
	p1 =	sne.s32 s17, $0x1FC;
	[tilespmem:s15+$0x810 ss:$0x81] =	vst.msk $0xffff, v2;
	s19 =	smov.u32 s17;
	s17 =	sadd.s32 $0x4, s17  }
.Ltmp3:
0x35: {  	v2 =	vld [tilespmem:s18+$0xFFFFFFF0];
	[tilespmem:s15+$0x1020 ss:$0x81] =	vst.msk $0xffff, v0;
	(pc) =	sbr.rel @p1 .LBB1_3-.Ltmp3, $4  }
0x36: {  	v0 =	vld [tilespmem:s18+$0x0];
	[tilespmem:s15+$0x0 ss:$0x81] =	vst.msk $0xffff, v1  }
0x37: {  	s15 =	sshra.s32 s19, $0x2;
	v1 =	vld [tilespmem:s18+$0xFFFFFFE0]  }
0x38: {  	s15 =	sadd.s32 s15, s16  }
0x39: {  	s18 =	sadd.s32 $0x40, s18;
	[tilespmem:s15+$0x1830 ss:$0x81] =	vst.msk $0xffff, v3  }
.Ltmp4:
0x3a: {  	_ = 	snop;
	(pc) =	sbr.rel .LBB1_4-.Ltmp4, $1  }
0x3b: {  	_ =	sdelay $0x3  }
.LBB1_6:
0x3c: {  	_ =	sfence.sel $0x180000  }
0x3d: {  	s2 =	simm.s32 $0x1;
	[bflag:$0x0] =	sbarrier.arrive $0xFFFF  }
0x3e: {  	s31 =	simm.s32 $0x2;
	[sflag:s2] =	ssyncpa.u1 $0x1  }
0x3f: {  	[sflag:s31] =	ssyncpa.u1 $0x1  }
0x40: {  	p0 =	sne.s32 s0, $0x0;
	_ =	strace $0x9000004A  }
0x41: {  	s0 =	sadd.s32 @!p0 $0x100000, s1;
	[bflag:$0x2] =	sbarrier.arrive $0xFFFF  }
0x42: {  	[sflag:s0] =	ssyncadd.tile.s32 @!p0 $0x1;
	_ =	shalt  }
.Lfunc_end1:
_tile_overlayer_lowered:
.L_overlay_start_2:
0x43: {  	(tag) =	ssettag $0x2  }
0x44: {  	s0 =	rddreg [dreg:$0x0];
	s2 =	stileid.u32  }
0x45: {  	s1 =	rddreg [dreg:$0x1];
	p0 =	sne.s32 s2, $0x0  }
0x46: {  	s3 =	rddreg [dreg:$0x2];
	[bflag:$0x3] =	sbarrier.arrive $0xFFFF;
	s2 =	simm.s32 @!p0 $0x1C01  }
0x47: {  	[timem:s3], [sflag:s2] =	dma.local @!p0 [hbm:s0], s1  }
0x48: {  	s0 =	simm.s32 @!p0 $0x1  }
0x49: {  	_ =	swait.ge @!p0 [sflag:s0], s1  }
0x4a: {  	s1 =	ssub.s32 @!p0 $0x0, s1;
	[sflag:s0] =	ssyncset.done @!p0 $0x0  }
0x4b: {  	[sflag:s0] =	ssyncadd.s32 @!p0 s1  }
0x4c: {  	[bflag:$0x3] =	sbarrier.arrive $0xFFFF  }
0x4d: {  	_ =	shalt  }

</sc_bundles>
